<compile_context>
chip_gen: v7x
topology: tpu7x:2x2x1
jax: 0.10.2.dev20260603
libtpu: 0.0.44.dev20260713+nightly
codegen_flags: <defaults>
</compile_context>

<pallas_src>
import functools

import numpy as np

import jax
import jax.numpy as jnp
from jax import lax
from jax.experimental import pallas as pl
from jax.experimental.pallas import tpu as pltpu
from jax.experimental.pallas import tpu_sc as plsc

_N = 50000
_C = 1000
_NBINS = 15
_M_SC = 20480
_N_TC = _N - _M_SC
_BR = 720
_NW = 32
_RW = _M_SC // _NW
_GRP = 16
_ROWS2 = 392
_NPAD = _ROWS2 * 128
_LOG2E_HALF = np.float32(0.5 * np.log2(np.e))
_KEY_BASE = np.int32(0x3A800000)
_BIT_HI, _BIT_LO = 26, 6

_p = np.linspace(0.0, float(_N), _NBINS + 1)
_lo = np.minimum(np.floor(_p).astype(np.int64), _N - 1)
_frac = _p - _lo
_hi = np.minimum(_lo + 1, _N - 1)
_ranks_list = sorted(set(_lo.tolist()) | set(_hi.tolist()))
_NT = 32
_ranks_padded = _ranks_list + [0] * (_NT - len(_ranks_list))
_rank_pos = {r: i for i, r in enumerate(_ranks_list)}
_W = np.zeros((_NBINS + 1, _NT), dtype=np.float64)
for _j in range(_NBINS + 1):
    _W[_j, _rank_pos[int(_lo[_j])]] += 1.0 - _frac[_j]
    _W[_j, _rank_pos[int(_hi[_j])]] += _frac[_j]
_RANKS_F = np.asarray(_ranks_padded, dtype=np.float32).reshape(_NT, 1)
_W32 = _W.astype(np.float32)


def _stage1_body(x_ref, lbl_ref, conf_ref, corr_ref):
    x = x_ref[...]
    m = jnp.max(x, axis=1, keepdims=True)
    idx = jax.lax.broadcasted_iota(jnp.int32, (_BR, _C), 1)
    am = jnp.min(jnp.where(x == m, idx, jnp.int32(1 << 30)), axis=1,
                 keepdims=True)
    t = jnp.exp2((x - m) * _LOG2E_HALF)
    ones = jnp.full((_C, 8), 1.0, jnp.float32)
    z = jax.lax.dot_general(t, ones, (((1,), (0,)), ((), ())),
                            preferred_element_type=jnp.float32)[:, 0:1]
    conf = 1.0 / z
    conf = jnp.where(conf == 1.0, jnp.float32(0.999999), conf)
    conf_ref[...] = conf
    corr_ref[...] = (am == lbl_ref[...]).astype(jnp.float32)


def _sc_body(x_hbm, lbl_hbm, conf_hbm, corr_hbm, buf, lblv, confv, corrv, sem):
    wid = lax.axis_index("s") * 2 + lax.axis_index("c")
    row0 = _N_TC + wid * _RW
    lanes = lax.iota(jnp.int32, 16)
    pltpu.sync_copy(lbl_hbm.at[pl.ds(row0, _RW)], lblv)

    def group(g, carry):
        base = g * _GRP
        pltpu.async_copy(
            x_hbm.at[pl.ds(row0 + base, _GRP), :], buf, sem).wait()

        def p1(o, mc):
            m16, am16 = mc
            for u in range(8):
                colv = jnp.full((16,), o * 8 + u, jnp.int32)
                v = plsc.load_gather(buf, [lanes, colv])
                upd = v > m16
                m16 = jnp.where(upd, v, m16)
                am16 = jnp.where(upd, colv, am16)
            return m16, am16

        m16, am16 = lax.fori_loop(
            0, _C // 8, p1,
            (jnp.full((16,), -jnp.inf, jnp.float32),
             jnp.full((16,), 0, jnp.int32)))

        def p2(o, z):
            for u in range(8):
                colv = jnp.full((16,), o * 8 + u, jnp.int32)
                v = plsc.load_gather(buf, [lanes, colv])
                z = z + jnp.exp((v - m16) * 0.5)
            return z

        z16 = lax.fori_loop(0, _C // 8, p2, jnp.full((16,), 0.0, jnp.float32))
        conf16 = 1.0 / z16
        conf16 = jnp.where(conf16 == 1.0, jnp.float32(0.999999), conf16)
        lbl16 = lblv[pl.ds(base, _GRP)]
        confv[pl.ds(base, _GRP)] = conf16
        corrv[pl.ds(base, _GRP)] = (am16 == lbl16).astype(jnp.float32)
        return carry

    lax.fori_loop(0, _RW // _GRP, group, 0)
    out0 = wid * _RW
    pltpu.sync_copy(confv, conf_hbm.at[pl.ds(out0, _RW)])
    pltpu.sync_copy(corrv, corr_hbm.at[pl.ds(out0, _RW)])


def _sc_stage1(x_sc, lbl_sc):
    mesh = plsc.VectorSubcoreMesh(core_axis_name="c", subcore_axis_name="s")
    return pl.kernel(
        _sc_body,
        mesh=mesh,
        compiler_params=pltpu.CompilerParams(needs_layout_passes=False),
        out_type=[
            jax.ShapeDtypeStruct((_M_SC,), jnp.float32),
            jax.ShapeDtypeStruct((_M_SC,), jnp.float32),
        ],
        scratch_types=[
            pltpu.VMEM((_GRP, _C), jnp.float32),
            pltpu.VMEM((_RW,), jnp.int32),
            pltpu.VMEM((_RW,), jnp.float32),
            pltpu.VMEM((_RW,), jnp.float32),
            pltpu.SemaphoreType.DMA,
        ],
    )(x_sc, lbl_sc)


def _stage2_body(conf_ref, corr_ref, ranks_ref, wt_ref, out_ref):
    conf = conf_ref[...]
    corr = corr_ref[...]
    keys = jax.lax.bitcast_convert_type(conf, jnp.int32) - _KEY_BASE
    ranks = ranks_ref[...]
    acc = jnp.zeros((_NT, 1), dtype=jnp.int32)
    kb = keys[None]
    for b in range(_BIT_HI, _BIT_LO - 1, -1):
        cand = acc + jnp.int32(1 << b)
        lt = (kb < cand[:, :, None]).astype(jnp.float32)
        cnt = jnp.sum(lt, axis=(1, 2))[:, None]
        acc = jnp.where(cnt <= ranks, cand, acc)
    sv = jax.lax.bitcast_convert_type(acc + _KEY_BASE, jnp.float32)
    edges = jnp.sum(sv * wt_ref[...], axis=0, keepdims=True)
    ece = jnp.zeros((1, 1), dtype=jnp.float32)
    for i in range(_NBINS):
        mask = (conf > edges[0, i]) & (conf <= edges[0, i + 1])
        mf = mask.astype(jnp.float32)
        cnt = jnp.sum(mf, axis=(0, 1))[None, None]
        csum = jnp.sum(corr * mf, axis=(0, 1))[None, None]
        confsum = jnp.sum(conf * mf, axis=(0, 1))[None, None]
        denom = jnp.maximum(cnt, 1.0)
        accb = jnp.clip(csum / denom, 0.01, 0.99)
        avgc = confsum / denom
        contrib = jnp.abs(avgc - accb) * (cnt / float(_N))
        ece = ece + jnp.where(cnt > 0, contrib, 0.0)
    out_ref[...] = ece


def kernel(logits, labels):
    logits = logits.astype(jnp.float32)
    lbl32 = labels.astype(jnp.int32)
    conf_sc, corr_sc = _sc_stage1(logits, lbl32)
    lbl = lbl32.reshape(_N, 1)
    nblk = _N_TC // _BR
    conf, corr = pl.pallas_call(
        _stage1_body,
        grid=(nblk,),
        in_specs=[
            pl.BlockSpec((_BR, _C), lambda i: (i, 0)),
            pl.BlockSpec((_BR, 1), lambda i: (i, 0)),
        ],
        out_specs=[
            pl.BlockSpec((_BR, 1), lambda i: (i, 0)),
            pl.BlockSpec((_BR, 1), lambda i: (i, 0)),
        ],
        out_shape=[
            jax.ShapeDtypeStruct((_N_TC, 1), jnp.float32),
            jax.ShapeDtypeStruct((_N_TC, 1), jnp.float32),
        ],
    )(logits, lbl)
    conf = conf.reshape(_N_TC)
    corr = corr.reshape(_N_TC)
    conf_p = jnp.concatenate(
        [conf, conf_sc,
         jnp.full((_NPAD - _N,), 2.0, jnp.float32)]).reshape(_ROWS2, 128)
    corr_p = jnp.concatenate(
        [corr, corr_sc,
         jnp.zeros((_NPAD - _N,), jnp.float32)]).reshape(_ROWS2, 128)
    ranks = jnp.asarray(_RANKS_F)
    wt = jnp.asarray(_W32.T.copy())
    ece = pl.pallas_call(
        _stage2_body,
        out_shape=jax.ShapeDtypeStruct((1, 1), jnp.float32),
    )(conf_p, corr_p, ranks, wt)
    return ece.reshape(1)

# --- scband reference (transcript-rebuilt; emitter-appended) ---
"""Pipeline reference for scband-temp-scaling-on-ada-ece-11158325035079 (READ-ONLY COPY).

The authoritative reference and input builder live on the scoring server;
editing this copy changes nothing except your own understanding.
"""

import jax, jax.numpy as jnp
import numpy as np

N_BINS = 15
TEMPERATURE = 2.0


def setup_inputs(seed: int = 0) -> dict:
    key = jax.random.key(seed)
    k1, k2 = jax.random.split(key)
    logits = jax.random.normal(k1, (50000, 1000), dtype=jnp.float32) * 3.0
    labels = jax.random.randint(k2, (50000,), 0, 1000, dtype=jnp.int64)
    return {"logits": logits, "labels": labels}


def _ada_ece(scaled_logits, labels):
    softmaxes = jax.nn.softmax(scaled_logits, axis=1)
    confidences = jnp.max(softmaxes, axis=1)
    predictions = jnp.argmax(softmaxes, axis=1)
    correctness = (predictions == labels).astype(jnp.float32)
    confidences = jnp.where(confidences == 1.0, jnp.float32(0.999999), confidences)
    npt = confidences.shape[0]
    # histedges_equalN: equal-count adaptive bin boundaries
    sorted_conf = jnp.sort(confidences)
    edges = jnp.interp(
        jnp.linspace(0.0, float(npt), N_BINS + 1),
        jnp.arange(npt, dtype=jnp.float32),
        sorted_conf,
    )
    ece = jnp.zeros((1,), dtype=jnp.float32)
    for i in range(N_BINS):
        lower = edges[i]
        upper = edges[i + 1]
        in_bin = (confidences > lower) & (confidences <= upper)
        in_bin_f = in_bin.astype(jnp.float32)
        cnt = jnp.sum(in_bin_f)
        prop_in_bin = cnt / npt
        denom = jnp.maximum(cnt, 1.0)
        accuracy_in_bin = jnp.sum(correctness * in_bin_f) / denom
        accuracy_in_bin = jnp.clip(accuracy_in_bin, 0.01, 0.99)
        avg_confidence_in_bin = jnp.sum(confidences * in_bin_f) / denom
        contrib = jnp.abs(avg_confidence_in_bin - accuracy_in_bin) * prop_in_bin
        ece = ece + jnp.where(cnt > 0, contrib, jnp.float32(0.0))
    return ece


def reference(logits, labels):
    # TempScalingOnAdaECE with self.temperature = 2.0: evaluate AdaECE on
    # temperature-scaled logits (the objective evaluated inside find_best_T).
    scaled_logits = logits.astype(jnp.float32) / TEMPERATURE
    return _ada_ece(scaled_logits, labels)

if __name__ == "__main__":
    import jax
    _d = setup_inputs()
    print(jax.jit(kernel)(*tuple(_d.values())))

</pallas_src>

<mosaic_0001>
#map = affine_map<(d0, d1) -> (0, 0)>
#map1 = affine_map<(d0, d1) -> (0)>
module attributes {stable_mosaic.version = 14 : i64} {
  func.func @_sc_body(%arg0: i32, %arg1: i32, %arg2: memref<50000x1000xf32, #tpu.memory_space<hbm>>, %arg3: memref<50000xi32, #tpu.memory_space<hbm>>, %arg4: memref<20480xf32, #tpu.memory_space<hbm>>, %arg5: memref<20480xf32, #tpu.memory_space<hbm>>, %arg6: memref<16x1000xf32, #tpu.memory_space<vmem>>, %arg7: memref<640xi32, #tpu.memory_space<vmem>>, %arg8: memref<640xf32, #tpu.memory_space<vmem>>, %arg9: memref<640xf32, #tpu.memory_space<vmem>>, %arg10: memref<!tpu.dma_semaphore, #tpu.memory_space<semaphore_mem>>) attributes {dimension_semantics = [#tpu.dimension_semantics<core_parallel>, #tpu.dimension_semantics<subcore_parallel>], iteration_bounds = array<i64: 2, 16>, scalar_prefetch = 0 : i64, scratch_operands = 5 : i64, tpu.core_type = #tpu.core_type<sc_vector_subcore>, window_params = [{transform_indices = #map}, {transform_indices = #map1}, {transform_indices = #map1}, {transform_indices = #map1}]} {
    %mul3A = arith.constant 2 : i32
    %mul3A_0 = arith.muli %arg1, %mul3A : i32
    %add3A = arith.addi %mul3A_0, %arg0 : i32
    %mul3A_1 = arith.constant 640 : i32
    %mul3A_2 = arith.muli %add3A, %mul3A_1 : i32
    %add3A_3 = arith.constant 29520 : i32
    %add3A_4 = arith.addi %add3A_3, %mul3A_2 : i32
    %iota3A = tpu.iota {dimensions = array<i32: 0>} : vector<16xi32>
    "tpu.region"() ({
      %run_scoped3A = tpu.sem_alloc : memref<!tpu.dma_semaphore, #tpu.memory_space<semaphore_mem>>
      %dma_start3A = tpu.memref_slice %arg3[%add3A_4] : memref<50000xi32, #tpu.memory_space<hbm>> -> memref<640xi32, #tpu.memory_space<hbm>>
      %dma_start3A_12 = tpu.memref_slice %arg3[%add3A_4] : memref<50000xi32, #tpu.memory_space<hbm>> -> memref<640xi32, #tpu.memory_space<hbm>>
      tpu.enqueue_dma source(%dma_start3A_12 : memref<640xi32, #tpu.memory_space<hbm>>) target(%arg7 : memref<640xi32, #tpu.memory_space<vmem>>) target_semaphore(%run_scoped3A : memref<!tpu.dma_semaphore, #tpu.memory_space<semaphore_mem>>)
      %dma_wait3A = tpu.memref_slice %arg3[%add3A_4] : memref<50000xi32, #tpu.memory_space<hbm>> -> memref<640xi32, #tpu.memory_space<hbm>>
      %dma_wait3A_13 = tpu.memref_slice %arg3[%add3A_4] : memref<50000xi32, #tpu.memory_space<hbm>> -> memref<640xi32, #tpu.memory_space<hbm>>
      tpu.wait_dma2 semaphore(%run_scoped3A : memref<!tpu.dma_semaphore, #tpu.memory_space<semaphore_mem>>) src(%dma_wait3A_13 : memref<640xi32, #tpu.memory_space<hbm>>) dst(%arg7 : memref<640xi32, #tpu.memory_space<vmem>>)
      tpu.yield
    }) : () -> ()
    %scan3A = arith.constant 0 : i32
    %scan3A_5 = arith.constant 0 : i32
    %scan3A_6 = arith.constant 40 : i32
    %scan3A_7 = arith.addi %scan3A_5, %scan3A_6 : i32
    %scan3A_8 = arith.constant 1 : i32
    scf.for %scan3A_12 = %scan3A_5 to %scan3A_7 step %scan3A_8  : i32 {
      %mul3A_13 = arith.constant 16 : i32
      %mul3A_14 = arith.muli %scan3A_12, %mul3A_13 : i32
      %add3A_15 = arith.addi %add3A_4, %mul3A_14 : i32
      %dma_start3A = arith.constant 0 : i32
      %dma_start3A_16 = tpu.memref_slice %arg2[%add3A_15, %dma_start3A] : memref<50000x1000xf32, #tpu.memory_space<hbm>> -> memref<16x1000xf32, #tpu.memory_space<hbm>>
      %dma_start3A_17 = arith.constant 0 : i32
      %dma_start3A_18 = tpu.memref_slice %arg2[%add3A_15, %dma_start3A_17] : memref<50000x1000xf32, #tpu.memory_space<hbm>> -> memref<16x1000xf32, #tpu.memory_space<hbm>>
      tpu.enqueue_dma source(%dma_start3A_18 : memref<16x1000xf32, #tpu.memory_space<hbm>>) target(%arg6 : memref<16x1000xf32, #tpu.memory_space<vmem>>) target_semaphore(%arg10 : memref<!tpu.dma_semaphore, #tpu.memory_space<semaphore_mem>>)
      %dma_wait3A = arith.constant 0 : i32
      %dma_wait3A_19 = tpu.memref_slice %arg2[%add3A_15, %dma_wait3A] : memref<50000x1000xf32, #tpu.memory_space<hbm>> -> memref<16x1000xf32, #tpu.memory_space<hbm>>
      %dma_wait3A_20 = arith.constant 0 : i32
      %dma_wait3A_21 = tpu.memref_slice %arg2[%add3A_15, %dma_wait3A_20] : memref<50000x1000xf32, #tpu.memory_space<hbm>> -> memref<16x1000xf32, #tpu.memory_space<hbm>>
      tpu.wait_dma2 semaphore(%arg10 : memref<!tpu.dma_semaphore, #tpu.memory_space<semaphore_mem>>) src(%dma_wait3A_21 : memref<16x1000xf32, #tpu.memory_space<hbm>>) dst(%arg6 : memref<16x1000xf32, #tpu.memory_space<vmem>>)
      %broadcast_in_dim3A = arith.constant 0xFF800000 : f32
      %broadcast_in_dim3A_22 = vector.broadcast %broadcast_in_dim3A : f32 to vector<16xf32>
      %broadcast_in_dim3A_23 = arith.constant 0 : i32
      %broadcast_in_dim3A_24 = vector.broadcast %broadcast_in_dim3A_23 : i32 to vector<16xi32>
      %scan3A_25 = arith.constant 0 : i32
      %scan3A_26 = arith.constant 125 : i32
      %scan3A_27 = arith.addi %scan3A_25, %scan3A_26 : i32
      %scan3A_28 = arith.constant 1 : i32
      %scan3A_29:2 = scf.for %scan3A_50 = %scan3A_25 to %scan3A_27 step %scan3A_28 iter_args(%scan3A_51 = %broadcast_in_dim3A_22, %scan3A_52 = %broadcast_in_dim3A_24) -> (vector<16xf32>, vector<16xi32>)  : i32 {
        %mul3A_53 = arith.constant 8 : i32
        %mul3A_54 = arith.muli %scan3A_50, %mul3A_53 : i32
        %add3A_55 = arith.constant 0 : i32
        %add3A_56 = arith.addi %mul3A_54, %add3A_55 : i32
        %broadcast_in_dim3A_57 = vector.broadcast %add3A_56 : i32 to vector<16xi32>
        %gather3A = tpu.vector_load_idx %arg6[%iota3A, %broadcast_in_dim3A_57] : memref<16x1000xf32, #tpu.memory_space<vmem>>[vector<16xi32>, vector<16xi32>], vector<16xf32>,
        %gt3A = arith.cmpf ogt, %gather3A, %scan3A_51 : vector<16xf32>
        %select_n3A_58 = arith.select %gt3A, %gather3A, %scan3A_51 : vector<16xi1>, vector<16xf32>
        %select_n3A_59 = arith.select %gt3A, %broadcast_in_dim3A_57, %scan3A_52 : vector<16xi1>, vector<16xi32>
        %mul3A_60 = arith.constant 8 : i32
        %mul3A_61 = arith.muli %scan3A_50, %mul3A_60 : i32
        %add3A_62 = arith.constant 1 : i32
        %add3A_63 = arith.addi %mul3A_61, %add3A_62 : i32
        %broadcast_in_dim3A_64 = vector.broadcast %add3A_63 : i32 to vector<16xi32>
        %gather3A_65 = tpu.vector_load_idx %arg6[%iota3A, %broadcast_in_dim3A_64] : memref<16x1000xf32, #tpu.memory_space<vmem>>[vector<16xi32>, vector<16xi32>], vector<16xf32>,
        %gt3A_66 = arith.cmpf ogt, %gather3A_65, %select_n3A_58 : vector<16xf32>
        %select_n3A_67 = arith.select %gt3A_66, %gather3A_65, %select_n3A_58 : vector<16xi1>, vector<16xf32>
        %select_n3A_68 = arith.select %gt3A_66, %broadcast_in_dim3A_64, %select_n3A_59 : vector<16xi1>, vector<16xi32>
        %mul3A_69 = arith.constant 8 : i32
        %mul3A_70 = arith.muli %scan3A_50, %mul3A_69 : i32
        %add3A_71 = arith.constant 2 : i32
        %add3A_72 = arith.addi %mul3A_70, %add3A_71 : i32
        %broadcast_in_dim3A_73 = vector.broadcast %add3A_72 : i32 to vector<16xi32>
        %gather3A_74 = tpu.vector_load_idx %arg6[%iota3A, %broadcast_in_dim3A_73] : memref<16x1000xf32, #tpu.memory_space<vmem>>[vector<16xi32>, vector<16xi32>], vector<16xf32>,
        %gt3A_75 = arith.cmpf ogt, %gather3A_74, %select_n3A_67 : vector<16xf32>
        %select_n3A_76 = arith.select %gt3A_75, %gather3A_74, %select_n3A_67 : vector<16xi1>, vector<16xf32>
        %select_n3A_77 = arith.select %gt3A_75, %broadcast_in_dim3A_73, %select_n3A_68 : vector<16xi1>, vector<16xi32>
        %mul3A_78 = arith.constant 8 : i32
        %mul3A_79 = arith.muli %scan3A_50, %mul3A_78 : i32
        %add3A_80 = arith.constant 3 : i32
        %add3A_81 = arith.addi %mul3A_79, %add3A_80 : i32
        %broadcast_in_dim3A_82 = vector.broadcast %add3A_81 : i32 to vector<16xi32>
        %gather3A_83 = tpu.vector_load_idx %arg6[%iota3A, %broadcast_in_dim3A_82] : memref<16x1000xf32, #tpu.memory_space<vmem>>[vector<16xi32>, vector<16xi32>], vector<16xf32>,
        %gt3A_84 = arith.cmpf ogt, %gather3A_83, %select_n3A_76 : vector<16xf32>
        %select_n3A_85 = arith.select %gt3A_84, %gather3A_83, %select_n3A_76 : vector<16xi1>, vector<16xf32>
        %select_n3A_86 = arith.select %gt3A_84, %broadcast_in_dim3A_82, %select_n3A_77 : vector<16xi1>, vector<16xi32>
        %mul3A_87 = arith.constant 8 : i32
        %mul3A_88 = arith.muli %scan3A_50, %mul3A_87 : i32
        %add3A_89 = arith.constant 4 : i32
        %add3A_90 = arith.addi %mul3A_88, %add3A_89 : i32
        %broadcast_in_dim3A_91 = vector.broadcast %add3A_90 : i32 to vector<16xi32>
        %gather3A_92 = tpu.vector_load_idx %arg6[%iota3A, %broadcast_in_dim3A_91] : memref<16x1000xf32, #tpu.memory_space<vmem>>[vector<16xi32>, vector<16xi32>], vector<16xf32>,
        %gt3A_93 = arith.cmpf ogt, %gather3A_92, %select_n3A_85 : vector<16xf32>
        %select_n3A_94 = arith.select %gt3A_93, %gather3A_92, %select_n3A_85 : vector<16xi1>, vector<16xf32>
        %select_n3A_95 = arith.select %gt3A_93, %broadcast_in_dim3A_91, %select_n3A_86 : vector<16xi1>, vector<16xi32>
        %mul3A_96 = arith.constant 8 : i32
        %mul3A_97 = arith.muli %scan3A_50, %mul3A_96 : i32
        %add3A_98 = arith.constant 5 : i32
        %add3A_99 = arith.addi %mul3A_97, %add3A_98 : i32
        %broadcast_in_dim3A_100 = vector.broadcast %add3A_99 : i32 to vector<16xi32>
        %gather3A_101 = tpu.vector_load_idx %arg6[%iota3A, %broadcast_in_dim3A_100] : memref<16x1000xf32, #tpu.memory_space<vmem>>[vector<16xi32>, vector<16xi32>], vector<16xf32>,
        %gt3A_102 = arith.cmpf ogt, %gather3A_101, %select_n3A_94 : vector<16xf32>
        %select_n3A_103 = arith.select %gt3A_102, %gather3A_101, %select_n3A_94 : vector<16xi1>, vector<16xf32>
        %select_n3A_104 = arith.select %gt3A_102, %broadcast_in_dim3A_100, %select_n3A_95 : vector<16xi1>, vector<16xi32>
        %mul3A_105 = arith.constant 8 : i32
        %mul3A_106 = arith.muli %scan3A_50, %mul3A_105 : i32
        %add3A_107 = arith.constant 6 : i32
        %add3A_108 = arith.addi %mul3A_106, %add3A_107 : i32
        %broadcast_in_dim3A_109 = vector.broadcast %add3A_108 : i32 to vector<16xi32>
        %gather3A_110 = tpu.vector_load_idx %arg6[%iota3A, %broadcast_in_dim3A_109] : memref<16x1000xf32, #tpu.memory_space<vmem>>[vector<16xi32>, vector<16xi32>], vector<16xf32>,
        %gt3A_111 = arith.cmpf ogt, %gather3A_110, %select_n3A_103 : vector<16xf32>
        %select_n3A_112 = arith.select %gt3A_111, %gather3A_110, %select_n3A_103 : vector<16xi1>, vector<16xf32>
        %select_n3A_113 = arith.select %gt3A_111, %broadcast_in_dim3A_109, %select_n3A_104 : vector<16xi1>, vector<16xi32>
        %mul3A_114 = arith.constant 8 : i32
        %mul3A_115 = arith.muli %scan3A_50, %mul3A_114 : i32
        %add3A_116 = arith.constant 7 : i32
        %add3A_117 = arith.addi %mul3A_115, %add3A_116 : i32
        %broadcast_in_dim3A_118 = vector.broadcast %add3A_117 : i32 to vector<16xi32>
        %gather3A_119 = tpu.vector_load_idx %arg6[%iota3A, %broadcast_in_dim3A_118] : memref<16x1000xf32, #tpu.memory_space<vmem>>[vector<16xi32>, vector<16xi32>], vector<16xf32>,
        %gt3A_120 = arith.cmpf ogt, %gather3A_119, %select_n3A_112 : vector<16xf32>
        %select_n3A_121 = arith.select %gt3A_120, %gather3A_119, %select_n3A_112 : vector<16xi1>, vector<16xf32>
        %select_n3A_122 = arith.select %gt3A_120, %broadcast_in_dim3A_118, %select_n3A_113 : vector<16xi1>, vector<16xi32>
        scf.yield %select_n3A_121, %select_n3A_122 : vector<16xf32>, vector<16xi32>
      }
      %scan3A_30 = arith.constant 125 : i32
      %broadcast_in_dim3A_31 = arith.constant 0.000000e+00 : f32
      %broadcast_in_dim3A_32 = vector.broadcast %broadcast_in_dim3A_31 : f32 to vector<16xf32>
      %scan3A_33 = arith.constant 0 : i32
      %scan3A_34 = arith.constant 125 : i32
      %scan3A_35 = arith.addi %scan3A_33, %scan3A_34 : i32
      %scan3A_36 = arith.constant 1 : i32
      %scan3A_37 = scf.for %scan3A_50 = %scan3A_33 to %scan3A_35 step %scan3A_36 iter_args(%scan3A_51 = %broadcast_in_dim3A_32) -> (vector<16xf32>)  : i32 {
        %mul3A_52 = arith.constant 8 : i32
        %mul3A_53 = arith.muli %scan3A_50, %mul3A_52 : i32
        %add3A_54 = arith.constant 0 : i32
        %add3A_55 = arith.addi %mul3A_53, %add3A_54 : i32
        %broadcast_in_dim3A_56 = vector.broadcast %add3A_55 : i32 to vector<16xi32>
        %gather3A = tpu.vector_load_idx %arg6[%iota3A, %broadcast_in_dim3A_56] : memref<16x1000xf32, #tpu.memory_space<vmem>>[vector<16xi32>, vector<16xi32>], vector<16xf32>,
        %sub3A = arith.subf %gather3A, %scan3A_29#0 : vector<16xf32>
        %mul3A_57 = arith.constant 5.000000e-01 : f32
        %mul3A_58 = vector.broadcast %mul3A_57 : f32 to vector<16xf32>
        %mul3A_59 = arith.mulf %sub3A, %mul3A_58 : vector<16xf32>
        %exp3A = math.exp %mul3A_59 : vector<16xf32>
        %add3A_60 = arith.addf %scan3A_51, %exp3A : vector<16xf32>
        %mul3A_61 = arith.constant 8 : i32
        %mul3A_62 = arith.muli %scan3A_50, %mul3A_61 : i32
        %add3A_63 = arith.constant 1 : i32
        %add3A_64 = arith.addi %mul3A_62, %add3A_63 : i32
        %broadcast_in_dim3A_65 = vector.broadcast %add3A_64 : i32 to vector<16xi32>
        %gather3A_66 = tpu.vector_load_idx %arg6[%iota3A, %broadcast_in_dim3A_65] : memref<16x1000xf32, #tpu.memory_space<vmem>>[vector<16xi32>, vector<16xi32>], vector<16xf32>,
        %sub3A_67 = arith.subf %gather3A_66, %scan3A_29#0 : vector<16xf32>
        %mul3A_68 = arith.constant 5.000000e-01 : f32
        %mul3A_69 = vector.broadcast %mul3A_68 : f32 to vector<16xf32>
        %mul3A_70 = arith.mulf %sub3A_67, %mul3A_69 : vector<16xf32>
        %exp3A_71 = math.exp %mul3A_70 : vector<16xf32>
        %add3A_72 = arith.addf %add3A_60, %exp3A_71 : vector<16xf32>
        %mul3A_73 = arith.constant 8 : i32
        %mul3A_74 = arith.muli %scan3A_50, %mul3A_73 : i32
        %add3A_75 = arith.constant 2 : i32
        %add3A_76 = arith.addi %mul3A_74, %add3A_75 : i32
        %broadcast_in_dim3A_77 = vector.broadcast %add3A_76 : i32 to vector<16xi32>
        %gather3A_78 = tpu.vector_load_idx %arg6[%iota3A, %broadcast_in_dim3A_77] : memref<16x1000xf32, #tpu.memory_space<vmem>>[vector<16xi32>, vector<16xi32>], vector<16xf32>,
        %sub3A_79 = arith.subf %gather3A_78, %scan3A_29#0 : vector<16xf32>
        %mul3A_80 = arith.constant 5.000000e-01 : f32
        %mul3A_81 = vector.broadcast %mul3A_80 : f32 to vector<16xf32>
        %mul3A_82 = arith.mulf %sub3A_79, %mul3A_81 : vector<16xf32>
        %exp3A_83 = math.exp %mul3A_82 : vector<16xf32>
        %add3A_84 = arith.addf %add3A_72, %exp3A_83 : vector<16xf32>
        %mul3A_85 = arith.constant 8 : i32
        %mul3A_86 = arith.muli %scan3A_50, %mul3A_85 : i32
        %add3A_87 = arith.constant 3 : i32
        %add3A_88 = arith.addi %mul3A_86, %add3A_87 : i32
        %broadcast_in_dim3A_89 = vector.broadcast %add3A_88 : i32 to vector<16xi32>
        %gather3A_90 = tpu.vector_load_idx %arg6[%iota3A, %broadcast_in_dim3A_89] : memref<16x1000xf32, #tpu.memory_space<vmem>>[vector<16xi32>, vector<16xi32>], vector<16xf32>,
        %sub3A_91 = arith.subf %gather3A_90, %scan3A_29#0 : vector<16xf32>
        %mul3A_92 = arith.constant 5.000000e-01 : f32
        %mul3A_93 = vector.broadcast %mul3A_92 : f32 to vector<16xf32>
        %mul3A_94 = arith.mulf %sub3A_91, %mul3A_93 : vector<16xf32>
        %exp3A_95 = math.exp %mul3A_94 : vector<16xf32>
        %add3A_96 = arith.addf %add3A_84, %exp3A_95 : vector<16xf32>
        %mul3A_97 = arith.constant 8 : i32
        %mul3A_98 = arith.muli %scan3A_50, %mul3A_97 : i32
        %add3A_99 = arith.constant 4 : i32
        %add3A_100 = arith.addi %mul3A_98, %add3A_99 : i32
        %broadcast_in_dim3A_101 = vector.broadcast %add3A_100 : i32 to vector<16xi32>
        %gather3A_102 = tpu.vector_load_idx %arg6[%iota3A, %broadcast_in_dim3A_101] : memref<16x1000xf32, #tpu.memory_space<vmem>>[vector<16xi32>, vector<16xi32>], vector<16xf32>,
        %sub3A_103 = arith.subf %gather3A_102, %scan3A_29#0 : vector<16xf32>
        %mul3A_104 = arith.constant 5.000000e-01 : f32
        %mul3A_105 = vector.broadcast %mul3A_104 : f32 to vector<16xf32>
        %mul3A_106 = arith.mulf %sub3A_103, %mul3A_105 : vector<16xf32>
        %exp3A_107 = math.exp %mul3A_106 : vector<16xf32>
        %add3A_108 = arith.addf %add3A_96, %exp3A_107 : vector<16xf32>
        %mul3A_109 = arith.constant 8 : i32
        %mul3A_110 = arith.muli %scan3A_50, %mul3A_109 : i32
        %add3A_111 = arith.constant 5 : i32
        %add3A_112 = arith.addi %mul3A_110, %add3A_111 : i32
        %broadcast_in_dim3A_113 = vector.broadcast %add3A_112 : i32 to vector<16xi32>
        %gather3A_114 = tpu.vector_load_idx %arg6[%iota3A, %broadcast_in_dim3A_113] : memref<16x1000xf32, #tpu.memory_space<vmem>>[vector<16xi32>, vector<16xi32>], vector<16xf32>,
        %sub3A_115 = arith.subf %gather3A_114, %scan3A_29#0 : vector<16xf32>
        %mul3A_116 = arith.constant 5.000000e-01 : f32
        %mul3A_117 = vector.broadcast %mul3A_116 : f32 to vector<16xf32>
        %mul3A_118 = arith.mulf %sub3A_115, %mul3A_117 : vector<16xf32>
        %exp3A_119 = math.exp %mul3A_118 : vector<16xf32>
        %add3A_120 = arith.addf %add3A_108, %exp3A_119 : vector<16xf32>
        %mul3A_121 = arith.constant 8 : i32
        %mul3A_122 = arith.muli %scan3A_50, %mul3A_121 : i32
        %add3A_123 = arith.constant 6 : i32
        %add3A_124 = arith.addi %mul3A_122, %add3A_123 : i32
        %broadcast_in_dim3A_125 = vector.broadcast %add3A_124 : i32 to vector<16xi32>
        %gather3A_126 = tpu.vector_load_idx %arg6[%iota3A, %broadcast_in_dim3A_125] : memref<16x1000xf32, #tpu.memory_space<vmem>>[vector<16xi32>, vector<16xi32>], vector<16xf32>,
        %sub3A_127 = arith.subf %gather3A_126, %scan3A_29#0 : vector<16xf32>
        %mul3A_128 = arith.constant 5.000000e-01 : f32
        %mul3A_129 = vector.broadcast %mul3A_128 : f32 to vector<16xf32>
        %mul3A_130 = arith.mulf %sub3A_127, %mul3A_129 : vector<16xf32>
        %exp3A_131 = math.exp %mul3A_130 : vector<16xf32>
        %add3A_132 = arith.addf %add3A_120, %exp3A_131 : vector<16xf32>
        %mul3A_133 = arith.constant 8 : i32
        %mul3A_134 = arith.muli %scan3A_50, %mul3A_133 : i32
        %add3A_135 = arith.constant 7 : i32
        %add3A_136 = arith.addi %mul3A_134, %add3A_135 : i32
        %broadcast_in_dim3A_137 = vector.broadcast %add3A_136 : i32 to vector<16xi32>
        %gather3A_138 = tpu.vector_load_idx %arg6[%iota3A, %broadcast_in_dim3A_137] : memref<16x1000xf32, #tpu.memory_space<vmem>>[vector<16xi32>, vector<16xi32>], vector<16xf32>,
        %sub3A_139 = arith.subf %gather3A_138, %scan3A_29#0 : vector<16xf32>
        %mul3A_140 = arith.constant 5.000000e-01 : f32
        %mul3A_141 = vector.broadcast %mul3A_140 : f32 to vector<16xf32>
        %mul3A_142 = arith.mulf %sub3A_139, %mul3A_141 : vector<16xf32>
        %exp3A_143 = math.exp %mul3A_142 : vector<16xf32>
        %add3A_144 = arith.addf %add3A_132, %exp3A_143 : vector<16xf32>
        scf.yield %add3A_144 : vector<16xf32>
      }
      %scan3A_38 = arith.constant 125 : i32
      %div3A = arith.constant 1.000000e+00 : f32
      %div3A_39 = vector.broadcast %div3A : f32 to vector<16xf32>
      %div3A_40 = arith.divf %div3A_39, %scan3A_37 : vector<16xf32>
      %eq3A = arith.constant 1.000000e+00 : f32
      %eq3A_41 = vector.broadcast %eq3A : f32 to vector<16xf32>
      %eq3A_42 = arith.cmpf oeq, %div3A_40, %eq3A_41 : vector<16xf32>
      %jit3A = arith.constant 0.999998986 : f32
      %broadcast_in_dim3A_43 = vector.broadcast %jit3A : f32 to vector<16xf32>
      %select_n3A = arith.select %eq3A_42, %broadcast_in_dim3A_43, %div3A_40 : vector<16xi1>, vector<16xf32>
      %get3A = arith.index_cast %mul3A_14 : i32 to index
      %get3A_44 = tpu.vector_load %arg7[%get3A] {strides = array<i32>} : memref<640xi32, #tpu.memory_space<vmem>>, vector<16xi32>,
      %swap3A = arith.index_cast %mul3A_14 : i32 to index
      %swap3A_45 = tpu.vector_load %arg8[%swap3A] {strides = array<i32>} : memref<640xf32, #tpu.memory_space<vmem>>, vector<16xf32>,
      tpu.vector_store %arg8[%swap3A], %select_n3A {strides = array<i32>} : memref<640xf32, #tpu.memory_space<vmem>>, vector<16xf32>,
      %eq3A_46 = arith.cmpi eq, %scan3A_29#1, %get3A_44 : vector<16xi32>
      %convert_element_type3A = arith.extui %eq3A_46 : vector<16xi1> to vector<16xi32>
      %convert_element_type3A_47 = arith.sitofp %convert_element_type3A : vector<16xi32> to vector<16xf32>
      %swap3A_48 = arith.index_cast %mul3A_14 : i32 to index
      %swap3A_49 = tpu.vector_load %arg9[%swap3A_48] {strides = array<i32>} : memref<640xf32, #tpu.memory_space<vmem>>, vector<16xf32>,
      tpu.vector_store %arg9[%swap3A_48], %convert_element_type3A_47 {strides = array<i32>} : memref<640xf32, #tpu.memory_space<vmem>>, vector<16xf32>,
    }
    %scan3A_9 = arith.constant 40 : i32
    %mul3A_10 = arith.constant 640 : i32
    %mul3A_11 = arith.muli %add3A, %mul3A_10 : i32
    "tpu.region"() ({
      %run_scoped3A = tpu.sem_alloc : memref<!tpu.dma_semaphore, #tpu.memory_space<semaphore_mem>>
      %dma_start3A = tpu.memref_slice %arg4[%mul3A_11] : memref<20480xf32, #tpu.memory_space<hbm>> -> memref<640xf32, #tpu.memory_space<hbm>>
      %dma_start3A_12 = tpu.memref_slice %arg4[%mul3A_11] : memref<20480xf32, #tpu.memory_space<hbm>> -> memref<640xf32, #tpu.memory_space<hbm>>
      tpu.enqueue_dma source(%arg8 : memref<640xf32, #tpu.memory_space<vmem>>) target(%dma_start3A_12 : memref<640xf32, #tpu.memory_space<hbm>>) target_semaphore(%run_scoped3A : memref<!tpu.dma_semaphore, #tpu.memory_space<semaphore_mem>>)
      %dma_wait3A = tpu.memref_slice %arg4[%mul3A_11] : memref<20480xf32, #tpu.memory_space<hbm>> -> memref<640xf32, #tpu.memory_space<hbm>>
      %dma_wait3A_13 = tpu.memref_slice %arg4[%mul3A_11] : memref<20480xf32, #tpu.memory_space<hbm>> -> memref<640xf32, #tpu.memory_space<hbm>>
      tpu.wait_dma2 semaphore(%run_scoped3A : memref<!tpu.dma_semaphore, #tpu.memory_space<semaphore_mem>>) src(%arg8 : memref<640xf32, #tpu.memory_space<vmem>>) dst(%dma_wait3A_13 : memref<640xf32, #tpu.memory_space<hbm>>)
      tpu.yield
    }) : () -> ()
    "tpu.region"() ({
      %run_scoped3A = tpu.sem_alloc : memref<!tpu.dma_semaphore, #tpu.memory_space<semaphore_mem>>
      %dma_start3A = tpu.memref_slice %arg5[%mul3A_11] : memref<20480xf32, #tpu.memory_space<hbm>> -> memref<640xf32, #tpu.memory_space<hbm>>
      %dma_start3A_12 = tpu.memref_slice %arg5[%mul3A_11] : memref<20480xf32, #tpu.memory_space<hbm>> -> memref<640xf32, #tpu.memory_space<hbm>>
      tpu.enqueue_dma source(%arg9 : memref<640xf32, #tpu.memory_space<vmem>>) target(%dma_start3A_12 : memref<640xf32, #tpu.memory_space<hbm>>) target_semaphore(%run_scoped3A : memref<!tpu.dma_semaphore, #tpu.memory_space<semaphore_mem>>)
      %dma_wait3A = tpu.memref_slice %arg5[%mul3A_11] : memref<20480xf32, #tpu.memory_space<hbm>> -> memref<640xf32, #tpu.memory_space<hbm>>
      %dma_wait3A_13 = tpu.memref_slice %arg5[%mul3A_11] : memref<20480xf32, #tpu.memory_space<hbm>> -> memref<640xf32, #tpu.memory_space<hbm>>
      tpu.wait_dma2 semaphore(%run_scoped3A : memref<!tpu.dma_semaphore, #tpu.memory_space<semaphore_mem>>) src(%arg9 : memref<640xf32, #tpu.memory_space<vmem>>) dst(%dma_wait3A_13 : memref<640xf32, #tpu.memory_space<hbm>>)
      tpu.yield
    }) : () -> ()
    return
  }
}

module attributes {stable_mosaic.version = 14 : i64} {
  func.func @_stage1_body(%arg0: i32, %arg1: memref<720x1000xf32, #tpu.memory_space<vmem>>, %arg2: memref<720x1xi32, #tpu.memory_space<vmem>>, %arg3: memref<720x1xf32, #tpu.memory_space<vmem>>, %arg4: memref<720x1xf32, #tpu.memory_space<vmem>>) attributes {dimension_semantics = [#tpu.dimension_semantics<arbitrary>], iteration_bounds = array<i64: 41>, scalar_prefetch = 0 : i64, scratch_operands = 0 : i64, tpu.core_type = #tpu.core_type<tc>, window_params = [{transform_indices = @transform_0, window_bounds = array<i64: 720, 1000>}, {transform_indices = @transform_1, window_bounds = array<i64: 720, 1>}, {transform_indices = @transform_2, window_bounds = array<i64: 720, 1>}, {transform_indices = @transform_3, window_bounds = array<i64: 720, 1>}]} {
    %get3A = arith.constant 0 : index
    %get3A_0 = arith.constant 0 : index
    %get3A_1 = vector.load %arg1[%get3A, %get3A_0] : memref<720x1000xf32, #tpu.memory_space<vmem>>, vector<720x1000xf32>
    %reduce_max3A = arith.constant dense<0xFF800000> : vector<720xf32>
    %reduce_max3A_2 = vector.multi_reduction <maximumf>, %get3A_1, %reduce_max3A [1] : vector<720x1000xf32> to vector<720xf32>
    %broadcast_in_dim3A = vector.shape_cast %reduce_max3A_2 : vector<720xf32> to vector<720x1xf32>
    %iota3A = tpu.iota {dimensions = array<i32: 1>} : vector<720x1000xi32>
    %eq3A = vector.broadcast %broadcast_in_dim3A : vector<720x1xf32> to vector<720x1000xf32>
    %eq3A_3 = arith.cmpf oeq, %get3A_1, %eq3A : vector<720x1000xf32>
    %jit3A = arith.constant 1073741824 : i32
    %broadcast_in_dim3A_4 = vector.broadcast %jit3A : i32 to vector<720x1000xi32>
    %select_n3A = arith.select %eq3A_3, %iota3A, %broadcast_in_dim3A_4 : vector<720x1000xi1>, vector<720x1000xi32>
    %reduce_min3A = arith.constant dense<2147483647> : vector<720xi32>
    %reduce_min3A_5 = vector.multi_reduction <minsi>, %select_n3A, %reduce_min3A [1] : vector<720x1000xi32> to vector<720xi32>
    %broadcast_in_dim3A_6 = vector.shape_cast %reduce_min3A_5 : vector<720xi32> to vector<720x1xi32>
    %sub3A = vector.broadcast %broadcast_in_dim3A : vector<720x1xf32> to vector<720x1000xf32>
    %sub3A_7 = arith.subf %get3A_1, %sub3A : vector<720x1000xf32>
    %mul3A = arith.constant 0.72134751 : f32
    %mul3A_8 = vector.broadcast %mul3A : f32 to vector<720x1000xf32>
    %mul3A_9 = arith.mulf %sub3A_7, %mul3A_8 : vector<720x1000xf32>
    %exp23A = math.exp2 %mul3A_9 : vector<720x1000xf32>
    %broadcast_in_dim3A_10 = arith.constant 1.000000e+00 : f32
    %broadcast_in_dim3A_11 = vector.broadcast %broadcast_in_dim3A_10 : f32 to vector<1000x8xf32>
    %dot_general3A = arith.constant dense<0.000000e+00> : vector<720x8xf32>
    %dot_general3A_12 = tpu.matmul %exp23A, %broadcast_in_dim3A_11, %dot_general3A {dimension_numbers = #tpu.dot_dimension_numbers<[1], [0], [0], [1], [0, 0, 1, 1], [], []>, transpose_lhs_hint = false} : vector<720x1000xf32>, vector<1000x8xf32>, vector<720x8xf32> -> vector<720x8xf32>
    %slice3A = vector.extract_strided_slice %dot_general3A_12 {offsets = [0, 0], sizes = [720, 1], strides = [1, 1]} : vector<720x8xf32> to vector<720x1xf32>
    %div3A = arith.constant 1.000000e+00 : f32
    %div3A_13 = vector.broadcast %div3A : f32 to vector<720x1xf32>
    %div3A_14 = arith.divf %div3A_13, %slice3A : vector<720x1xf32>
    %eq3A_15 = arith.constant 1.000000e+00 : f32
    %eq3A_16 = vector.broadcast %eq3A_15 : f32 to vector<720x1xf32>
    %eq3A_17 = arith.cmpf oeq, %div3A_14, %eq3A_16 : vector<720x1xf32>
    %jit3A_18 = arith.constant 0.999998986 : f32
    %broadcast_in_dim3A_19 = vector.broadcast %jit3A_18 : f32 to vector<720x1xf32>
    %select_n3A_20 = arith.select %eq3A_17, %broadcast_in_dim3A_19, %div3A_14 : vector<720x1xi1>, vector<720x1xf32>
    %swap3A = arith.constant 0 : index
    %swap3A_21 = arith.constant 0 : index
    %swap3A_22 = vector.load %arg3[%swap3A, %swap3A_21] : memref<720x1xf32, #tpu.memory_space<vmem>>, vector<720x1xf32>
    tpu.vector_store %arg3[%swap3A, %swap3A_21], %select_n3A_20 {strides = array<i32>} : memref<720x1xf32, #tpu.memory_space<vmem>>, vector<720x1xf32>,
    %get3A_23 = arith.constant 0 : index
    %get3A_24 = arith.constant 0 : index
    %get3A_25 = vector.load %arg2[%get3A_23, %get3A_24] : memref<720x1xi32, #tpu.memory_space<vmem>>, vector<720x1xi32>
    %eq3A_26 = arith.cmpi eq, %broadcast_in_dim3A_6, %get3A_25 : vector<720x1xi32>
    %convert_element_type3A = arith.extui %eq3A_26 : vector<720x1xi1> to vector<720x1xi32>
    %convert_element_type3A_27 = arith.sitofp %convert_element_type3A : vector<720x1xi32> to vector<720x1xf32>
    %swap3A_28 = arith.constant 0 : index
    %swap3A_29 = arith.constant 0 : index
    %swap3A_30 = vector.load %arg4[%swap3A_28, %swap3A_29] : memref<720x1xf32, #tpu.memory_space<vmem>>, vector<720x1xf32>
    tpu.vector_store %arg4[%swap3A_28, %swap3A_29], %convert_element_type3A_27 {strides = array<i32>} : memref<720x1xf32, #tpu.memory_space<vmem>>, vector<720x1xf32>,
    return
  }
  func.func @transform_0(%arg0: i32) -> (i32, i32) {
    %c0_i32 = arith.constant 0 : i32
    %c0_i32_0 = arith.constant 0 : i32
    return %arg0, %c0_i32 : i32, i32
  }
  func.func @transform_1(%arg0: i32) -> (i32, i32) {
    %c0_i32 = arith.constant 0 : i32
    %c0_i32_0 = arith.constant 0 : i32
    return %arg0, %c0_i32 : i32, i32
  }
  func.func @transform_2(%arg0: i32) -> (i32, i32) {
    %c0_i32 = arith.constant 0 : i32
    %c0_i32_0 = arith.constant 0 : i32
    return %arg0, %c0_i32 : i32, i32
  }
  func.func @transform_3(%arg0: i32) -> (i32, i32) {
    %c0_i32 = arith.constant 0 : i32
    %c0_i32_0 = arith.constant 0 : i32
    return %arg0, %c0_i32 : i32, i32
  }
}

module attributes {stable_mosaic.version = 14 : i64} {
  func.func @_stage2_body(%arg0: memref<392x128xf32, #tpu.memory_space<vmem>>, %arg1: memref<392x128xf32, #tpu.memory_space<vmem>>, %arg2: memref<32x1xf32, #tpu.memory_space<vmem>>, %arg3: memref<32x16xf32, #tpu.memory_space<vmem>>, %arg4: memref<1x1xf32, #tpu.memory_space<vmem>>) attributes {dimension_semantics = [], scalar_prefetch = 0 : i64, scratch_operands = 0 : i64, tpu.core_type = #tpu.core_type<tc>} {
    %get3A = arith.constant 0 : index
    %get3A_0 = arith.constant 0 : index
    %get3A_1 = vector.load %arg0[%get3A, %get3A_0] : memref<392x128xf32, #tpu.memory_space<vmem>>, vector<392x128xf32>
    %get3A_2 = arith.constant 0 : index
    %get3A_3 = arith.constant 0 : index
    %get3A_4 = vector.load %arg1[%get3A_2, %get3A_3] : memref<392x128xf32, #tpu.memory_space<vmem>>, vector<392x128xf32>
    %bitcast_convert_type3A = tpu.bitcast %get3A_1 : vector<392x128xf32> -> vector<392x128xi32>
    %sub3A = arith.constant 981467136 : i32
    %sub3A_5 = vector.broadcast %sub3A : i32 to vector<392x128xi32>
    %sub3A_6 = arith.subi %bitcast_convert_type3A, %sub3A_5 : vector<392x128xi32>
    %get3A_7 = arith.constant 0 : index
    %get3A_8 = arith.constant 0 : index
    %get3A_9 = vector.load %arg2[%get3A_7, %get3A_8] : memref<32x1xf32, #tpu.memory_space<vmem>>, vector<32x1xf32>
    %broadcast_in_dim3A = arith.constant 0 : i32
    %broadcast_in_dim3A_10 = vector.broadcast %broadcast_in_dim3A : i32 to vector<32x1xi32>
    %broadcast_in_dim3A_11 = vector.shape_cast %sub3A_6 : vector<392x128xi32> to vector<1x392x128xi32>
    %add3A = arith.constant 67108864 : i32
    %add3A_12 = vector.broadcast %add3A : i32 to vector<32x1xi32>
    %add3A_13 = arith.addi %broadcast_in_dim3A_10, %add3A_12 : vector<32x1xi32>
    %broadcast_in_dim3A_14 = vector.shape_cast %add3A_13 : vector<32x1xi32> to vector<32x1x1xi32>
    %lt3A = vector.broadcast %broadcast_in_dim3A_11 : vector<1x392x128xi32> to vector<32x392x128xi32>
    %lt3A_15 = vector.broadcast %broadcast_in_dim3A_14 : vector<32x1x1xi32> to vector<32x392x128xi32>
    %lt3A_16 = arith.cmpi slt, %lt3A, %lt3A_15 : vector<32x392x128xi32>
    %convert_element_type3A = arith.extui %lt3A_16 : vector<32x392x128xi1> to vector<32x392x128xi32>
    %convert_element_type3A_17 = arith.sitofp %convert_element_type3A : vector<32x392x128xi32> to vector<32x392x128xf32>
    %reduce_sum3A = arith.constant dense<0.000000e+00> : vector<32xf32>
    %reduce_sum3A_18 = vector.multi_reduction <add>, %convert_element_type3A_17, %reduce_sum3A [1, 2] : vector<32x392x128xf32> to vector<32xf32>
    %broadcast_in_dim3A_19 = vector.shape_cast %reduce_sum3A_18 : vector<32xf32> to vector<32x1xf32>
    %le3A = arith.cmpf ole, %broadcast_in_dim3A_19, %get3A_9 : vector<32x1xf32>
    %select_n3A = arith.select %le3A, %add3A_13, %broadcast_in_dim3A_10 : vector<32x1xi1>, vector<32x1xi32>
    %add3A_20 = arith.constant 33554432 : i32
    %add3A_21 = vector.broadcast %add3A_20 : i32 to vector<32x1xi32>
    %add3A_22 = arith.addi %select_n3A, %add3A_21 : vector<32x1xi32>
    %broadcast_in_dim3A_23 = vector.shape_cast %add3A_22 : vector<32x1xi32> to vector<32x1x1xi32>
    %lt3A_24 = vector.broadcast %broadcast_in_dim3A_11 : vector<1x392x128xi32> to vector<32x392x128xi32>
    %lt3A_25 = vector.broadcast %broadcast_in_dim3A_23 : vector<32x1x1xi32> to vector<32x392x128xi32>
    %lt3A_26 = arith.cmpi slt, %lt3A_24, %lt3A_25 : vector<32x392x128xi32>
    %convert_element_type3A_27 = arith.extui %lt3A_26 : vector<32x392x128xi1> to vector<32x392x128xi32>
    %convert_element_type3A_28 = arith.sitofp %convert_element_type3A_27 : vector<32x392x128xi32> to vector<32x392x128xf32>
    %reduce_sum3A_29 = arith.constant dense<0.000000e+00> : vector<32xf32>
    %reduce_sum3A_30 = vector.multi_reduction <add>, %convert_element_type3A_28, %reduce_sum3A_29 [1, 2] : vector<32x392x128xf32> to vector<32xf32>
    %broadcast_in_dim3A_31 = vector.shape_cast %reduce_sum3A_30 : vector<32xf32> to vector<32x1xf32>
    %le3A_32 = arith.cmpf ole, %broadcast_in_dim3A_31, %get3A_9 : vector<32x1xf32>
    %select_n3A_33 = arith.select %le3A_32, %add3A_22, %select_n3A : vector<32x1xi1>, vector<32x1xi32>
    %add3A_34 = arith.constant 16777216 : i32
    %add3A_35 = vector.broadcast %add3A_34 : i32 to vector<32x1xi32>
    %add3A_36 = arith.addi %select_n3A_33, %add3A_35 : vector<32x1xi32>
    %broadcast_in_dim3A_37 = vector.shape_cast %add3A_36 : vector<32x1xi32> to vector<32x1x1xi32>
    %lt3A_38 = vector.broadcast %broadcast_in_dim3A_11 : vector<1x392x128xi32> to vector<32x392x128xi32>
    %lt3A_39 = vector.broadcast %broadcast_in_dim3A_37 : vector<32x1x1xi32> to vector<32x392x128xi32>
    %lt3A_40 = arith.cmpi slt, %lt3A_38, %lt3A_39 : vector<32x392x128xi32>
    %convert_element_type3A_41 = arith.extui %lt3A_40 : vector<32x392x128xi1> to vector<32x392x128xi32>
    %convert_element_type3A_42 = arith.sitofp %convert_element_type3A_41 : vector<32x392x128xi32> to vector<32x392x128xf32>
    %reduce_sum3A_43 = arith.constant dense<0.000000e+00> : vector<32xf32>
    %reduce_sum3A_44 = vector.multi_reduction <add>, %convert_element_type3A_42, %reduce_sum3A_43 [1, 2] : vector<32x392x128xf32> to vector<32xf32>
    %broadcast_in_dim3A_45 = vector.shape_cast %reduce_sum3A_44 : vector<32xf32> to vector<32x1xf32>
    %le3A_46 = arith.cmpf ole, %broadcast_in_dim3A_45, %get3A_9 : vector<32x1xf32>
    %select_n3A_47 = arith.select %le3A_46, %add3A_36, %select_n3A_33 : vector<32x1xi1>, vector<32x1xi32>
    %add3A_48 = arith.constant 8388608 : i32
    %add3A_49 = vector.broadcast %add3A_48 : i32 to vector<32x1xi32>
    %add3A_50 = arith.addi %select_n3A_47, %add3A_49 : vector<32x1xi32>
    %broadcast_in_dim3A_51 = vector.shape_cast %add3A_50 : vector<32x1xi32> to vector<32x1x1xi32>
    %lt3A_52 = vector.broadcast %broadcast_in_dim3A_11 : vector<1x392x128xi32> to vector<32x392x128xi32>
    %lt3A_53 = vector.broadcast %broadcast_in_dim3A_51 : vector<32x1x1xi32> to vector<32x392x128xi32>
    %lt3A_54 = arith.cmpi slt, %lt3A_52, %lt3A_53 : vector<32x392x128xi32>
    %convert_element_type3A_55 = arith.extui %lt3A_54 : vector<32x392x128xi1> to vector<32x392x128xi32>
    %convert_element_type3A_56 = arith.sitofp %convert_element_type3A_55 : vector<32x392x128xi32> to vector<32x392x128xf32>
    %reduce_sum3A_57 = arith.constant dense<0.000000e+00> : vector<32xf32>
    %reduce_sum3A_58 = vector.multi_reduction <add>, %convert_element_type3A_56, %reduce_sum3A_57 [1, 2] : vector<32x392x128xf32> to vector<32xf32>
    %broadcast_in_dim3A_59 = vector.shape_cast %reduce_sum3A_58 : vector<32xf32> to vector<32x1xf32>
    %le3A_60 = arith.cmpf ole, %broadcast_in_dim3A_59, %get3A_9 : vector<32x1xf32>
    %select_n3A_61 = arith.select %le3A_60, %add3A_50, %select_n3A_47 : vector<32x1xi1>, vector<32x1xi32>
    %add3A_62 = arith.constant 4194304 : i32
    %add3A_63 = vector.broadcast %add3A_62 : i32 to vector<32x1xi32>
    %add3A_64 = arith.addi %select_n3A_61, %add3A_63 : vector<32x1xi32>
    %broadcast_in_dim3A_65 = vector.shape_cast %add3A_64 : vector<32x1xi32> to vector<32x1x1xi32>
    %lt3A_66 = vector.broadcast %broadcast_in_dim3A_11 : vector<1x392x128xi32> to vector<32x392x128xi32>
    %lt3A_67 = vector.broadcast %broadcast_in_dim3A_65 : vector<32x1x1xi32> to vector<32x392x128xi32>
    %lt3A_68 = arith.cmpi slt, %lt3A_66, %lt3A_67 : vector<32x392x128xi32>
    %convert_element_type3A_69 = arith.extui %lt3A_68 : vector<32x392x128xi1> to vector<32x392x128xi32>
    %convert_element_type3A_70 = arith.sitofp %convert_element_type3A_69 : vector<32x392x128xi32> to vector<32x392x128xf32>
    %reduce_sum3A_71 = arith.constant dense<0.000000e+00> : vector<32xf32>
    %reduce_sum3A_72 = vector.multi_reduction <add>, %convert_element_type3A_70, %reduce_sum3A_71 [1, 2] : vector<32x392x128xf32> to vector<32xf32>
    %broadcast_in_dim3A_73 = vector.shape_cast %reduce_sum3A_72 : vector<32xf32> to vector<32x1xf32>
    %le3A_74 = arith.cmpf ole, %broadcast_in_dim3A_73, %get3A_9 : vector<32x1xf32>
    %select_n3A_75 = arith.select %le3A_74, %add3A_64, %select_n3A_61 : vector<32x1xi1>, vector<32x1xi32>
    %add3A_76 = arith.constant 2097152 : i32
    %add3A_77 = vector.broadcast %add3A_76 : i32 to vector<32x1xi32>
    %add3A_78 = arith.addi %select_n3A_75, %add3A_77 : vector<32x1xi32>
    %broadcast_in_dim3A_79 = vector.shape_cast %add3A_78 : vector<32x1xi32> to vector<32x1x1xi32>
    %lt3A_80 = vector.broadcast %broadcast_in_dim3A_11 : vector<1x392x128xi32> to vector<32x392x128xi32>
    %lt3A_81 = vector.broadcast %broadcast_in_dim3A_79 : vector<32x1x1xi32> to vector<32x392x128xi32>
    %lt3A_82 = arith.cmpi slt, %lt3A_80, %lt3A_81 : vector<32x392x128xi32>
    %convert_element_type3A_83 = arith.extui %lt3A_82 : vector<32x392x128xi1> to vector<32x392x128xi32>
    %convert_element_type3A_84 = arith.sitofp %convert_element_type3A_83 : vector<32x392x128xi32> to vector<32x392x128xf32>
    %reduce_sum3A_85 = arith.constant dense<0.000000e+00> : vector<32xf32>
    %reduce_sum3A_86 = vector.multi_reduction <add>, %convert_element_type3A_84, %reduce_sum3A_85 [1, 2] : vector<32x392x128xf32> to vector<32xf32>
    %broadcast_in_dim3A_87 = vector.shape_cast %reduce_sum3A_86 : vector<32xf32> to vector<32x1xf32>
    %le3A_88 = arith.cmpf ole, %broadcast_in_dim3A_87, %get3A_9 : vector<32x1xf32>
    %select_n3A_89 = arith.select %le3A_88, %add3A_78, %select_n3A_75 : vector<32x1xi1>, vector<32x1xi32>
    %add3A_90 = arith.constant 1048576 : i32
    %add3A_91 = vector.broadcast %add3A_90 : i32 to vector<32x1xi32>
    %add3A_92 = arith.addi %select_n3A_89, %add3A_91 : vector<32x1xi32>
    %broadcast_in_dim3A_93 = vector.shape_cast %add3A_92 : vector<32x1xi32> to vector<32x1x1xi32>
    %lt3A_94 = vector.broadcast %broadcast_in_dim3A_11 : vector<1x392x128xi32> to vector<32x392x128xi32>
    %lt3A_95 = vector.broadcast %broadcast_in_dim3A_93 : vector<32x1x1xi32> to vector<32x392x128xi32>
    %lt3A_96 = arith.cmpi slt, %lt3A_94, %lt3A_95 : vector<32x392x128xi32>
    %convert_element_type3A_97 = arith.extui %lt3A_96 : vector<32x392x128xi1> to vector<32x392x128xi32>
    %convert_element_type3A_98 = arith.sitofp %convert_element_type3A_97 : vector<32x392x128xi32> to vector<32x392x128xf32>
    %reduce_sum3A_99 = arith.constant dense<0.000000e+00> : vector<32xf32>
    %reduce_sum3A_100 = vector.multi_reduction <add>, %convert_element_type3A_98, %reduce_sum3A_99 [1, 2] : vector<32x392x128xf32> to vector<32xf32>
    %broadcast_in_dim3A_101 = vector.shape_cast %reduce_sum3A_100 : vector<32xf32> to vector<32x1xf32>
    %le3A_102 = arith.cmpf ole, %broadcast_in_dim3A_101, %get3A_9 : vector<32x1xf32>
    %select_n3A_103 = arith.select %le3A_102, %add3A_92, %select_n3A_89 : vector<32x1xi1>, vector<32x1xi32>
    %add3A_104 = arith.constant 524288 : i32
    %add3A_105 = vector.broadcast %add3A_104 : i32 to vector<32x1xi32>
    %add3A_106 = arith.addi %select_n3A_103, %add3A_105 : vector<32x1xi32>
    %broadcast_in_dim3A_107 = vector.shape_cast %add3A_106 : vector<32x1xi32> to vector<32x1x1xi32>
    %lt3A_108 = vector.broadcast %broadcast_in_dim3A_11 : vector<1x392x128xi32> to vector<32x392x128xi32>
    %lt3A_109 = vector.broadcast %broadcast_in_dim3A_107 : vector<32x1x1xi32> to vector<32x392x128xi32>
    %lt3A_110 = arith.cmpi slt, %lt3A_108, %lt3A_109 : vector<32x392x128xi32>
    %convert_element_type3A_111 = arith.extui %lt3A_110 : vector<32x392x128xi1> to vector<32x392x128xi32>
    %convert_element_type3A_112 = arith.sitofp %convert_element_type3A_111 : vector<32x392x128xi32> to vector<32x392x128xf32>
    %reduce_sum3A_113 = arith.constant dense<0.000000e+00> : vector<32xf32>
    %reduce_sum3A_114 = vector.multi_reduction <add>, %convert_element_type3A_112, %reduce_sum3A_113 [1, 2] : vector<32x392x128xf32> to vector<32xf32>
    %broadcast_in_dim3A_115 = vector.shape_cast %reduce_sum3A_114 : vector<32xf32> to vector<32x1xf32>
    %le3A_116 = arith.cmpf ole, %broadcast_in_dim3A_115, %get3A_9 : vector<32x1xf32>
    %select_n3A_117 = arith.select %le3A_116, %add3A_106, %select_n3A_103 : vector<32x1xi1>, vector<32x1xi32>
    %add3A_118 = arith.constant 262144 : i32
    %add3A_119 = vector.broadcast %add3A_118 : i32 to vector<32x1xi32>
    %add3A_120 = arith.addi %select_n3A_117, %add3A_119 : vector<32x1xi32>
    %broadcast_in_dim3A_121 = vector.shape_cast %add3A_120 : vector<32x1xi32> to vector<32x1x1xi32>
    %lt3A_122 = vector.broadcast %broadcast_in_dim3A_11 : vector<1x392x128xi32> to vector<32x392x128xi32>
    %lt3A_123 = vector.broadcast %broadcast_in_dim3A_121 : vector<32x1x1xi32> to vector<32x392x128xi32>
    %lt3A_124 = arith.cmpi slt, %lt3A_122, %lt3A_123 : vector<32x392x128xi32>
    %convert_element_type3A_125 = arith.extui %lt3A_124 : vector<32x392x128xi1> to vector<32x392x128xi32>
    %convert_element_type3A_126 = arith.sitofp %convert_element_type3A_125 : vector<32x392x128xi32> to vector<32x392x128xf32>
    %reduce_sum3A_127 = arith.constant dense<0.000000e+00> : vector<32xf32>
    %reduce_sum3A_128 = vector.multi_reduction <add>, %convert_element_type3A_126, %reduce_sum3A_127 [1, 2] : vector<32x392x128xf32> to vector<32xf32>
    %broadcast_in_dim3A_129 = vector.shape_cast %reduce_sum3A_128 : vector<32xf32> to vector<32x1xf32>
    %le3A_130 = arith.cmpf ole, %broadcast_in_dim3A_129, %get3A_9 : vector<32x1xf32>
    %select_n3A_131 = arith.select %le3A_130, %add3A_120, %select_n3A_117 : vector<32x1xi1>, vector<32x1xi32>
    %add3A_132 = arith.constant 131072 : i32
    %add3A_133 = vector.broadcast %add3A_132 : i32 to vector<32x1xi32>
    %add3A_134 = arith.addi %select_n3A_131, %add3A_133 : vector<32x1xi32>
    %broadcast_in_dim3A_135 = vector.shape_cast %add3A_134 : vector<32x1xi32> to vector<32x1x1xi32>
    %lt3A_136 = vector.broadcast %broadcast_in_dim3A_11 : vector<1x392x128xi32> to vector<32x392x128xi32>
    %lt3A_137 = vector.broadcast %broadcast_in_dim3A_135 : vector<32x1x1xi32> to vector<32x392x128xi32>
    %lt3A_138 = arith.cmpi slt, %lt3A_136, %lt3A_137 : vector<32x392x128xi32>
    %convert_element_type3A_139 = arith.extui %lt3A_138 : vector<32x392x128xi1> to vector<32x392x128xi32>
    %convert_element_type3A_140 = arith.sitofp %convert_element_type3A_139 : vector<32x392x128xi32> to vector<32x392x128xf32>
    %reduce_sum3A_141 = arith.constant dense<0.000000e+00> : vector<32xf32>
    %reduce_sum3A_142 = vector.multi_reduction <add>, %convert_element_type3A_140, %reduce_sum3A_141 [1, 2] : vector<32x392x128xf32> to vector<32xf32>
    %broadcast_in_dim3A_143 = vector.shape_cast %reduce_sum3A_142 : vector<32xf32> to vector<32x1xf32>
    %le3A_144 = arith.cmpf ole, %broadcast_in_dim3A_143, %get3A_9 : vector<32x1xf32>
    %select_n3A_145 = arith.select %le3A_144, %add3A_134, %select_n3A_131 : vector<32x1xi1>, vector<32x1xi32>
    %add3A_146 = arith.constant 65536 : i32
    %add3A_147 = vector.broadcast %add3A_146 : i32 to vector<32x1xi32>
    %add3A_148 = arith.addi %select_n3A_145, %add3A_147 : vector<32x1xi32>
    %broadcast_in_dim3A_149 = vector.shape_cast %add3A_148 : vector<32x1xi32> to vector<32x1x1xi32>
    %lt3A_150 = vector.broadcast %broadcast_in_dim3A_11 : vector<1x392x128xi32> to vector<32x392x128xi32>
    %lt3A_151 = vector.broadcast %broadcast_in_dim3A_149 : vector<32x1x1xi32> to vector<32x392x128xi32>
    %lt3A_152 = arith.cmpi slt, %lt3A_150, %lt3A_151 : vector<32x392x128xi32>
    %convert_element_type3A_153 = arith.extui %lt3A_152 : vector<32x392x128xi1> to vector<32x392x128xi32>
    %convert_element_type3A_154 = arith.sitofp %convert_element_type3A_153 : vector<32x392x128xi32> to vector<32x392x128xf32>
    %reduce_sum3A_155 = arith.constant dense<0.000000e+00> : vector<32xf32>
    %reduce_sum3A_156 = vector.multi_reduction <add>, %convert_element_type3A_154, %reduce_sum3A_155 [1, 2] : vector<32x392x128xf32> to vector<32xf32>
    %broadcast_in_dim3A_157 = vector.shape_cast %reduce_sum3A_156 : vector<32xf32> to vector<32x1xf32>
    %le3A_158 = arith.cmpf ole, %broadcast_in_dim3A_157, %get3A_9 : vector<32x1xf32>
    %select_n3A_159 = arith.select %le3A_158, %add3A_148, %select_n3A_145 : vector<32x1xi1>, vector<32x1xi32>
    %add3A_160 = arith.constant 32768 : i32
    %add3A_161 = vector.broadcast %add3A_160 : i32 to vector<32x1xi32>
    %add3A_162 = arith.addi %select_n3A_159, %add3A_161 : vector<32x1xi32>
    %broadcast_in_dim3A_163 = vector.shape_cast %add3A_162 : vector<32x1xi32> to vector<32x1x1xi32>
    %lt3A_164 = vector.broadcast %broadcast_in_dim3A_11 : vector<1x392x128xi32> to vector<32x392x128xi32>
    %lt3A_165 = vector.broadcast %broadcast_in_dim3A_163 : vector<32x1x1xi32> to vector<32x392x128xi32>
    %lt3A_166 = arith.cmpi slt, %lt3A_164, %lt3A_165 : vector<32x392x128xi32>
    %convert_element_type3A_167 = arith.extui %lt3A_166 : vector<32x392x128xi1> to vector<32x392x128xi32>
    %convert_element_type3A_168 = arith.sitofp %convert_element_type3A_167 : vector<32x392x128xi32> to vector<32x392x128xf32>
    %reduce_sum3A_169 = arith.constant dense<0.000000e+00> : vector<32xf32>
    %reduce_sum3A_170 = vector.multi_reduction <add>, %convert_element_type3A_168, %reduce_sum3A_169 [1, 2] : vector<32x392x128xf32> to vector<32xf32>
    %broadcast_in_dim3A_171 = vector.shape_cast %reduce_sum3A_170 : vector<32xf32> to vector<32x1xf32>
    %le3A_172 = arith.cmpf ole, %broadcast_in_dim3A_171, %get3A_9 : vector<32x1xf32>
    %select_n3A_173 = arith.select %le3A_172, %add3A_162, %select_n3A_159 : vector<32x1xi1>, vector<32x1xi32>
    %add3A_174 = arith.constant 16384 : i32
    %add3A_175 = vector.broadcast %add3A_174 : i32 to vector<32x1xi32>
    %add3A_176 = arith.addi %select_n3A_173, %add3A_175 : vector<32x1xi32>
    %broadcast_in_dim3A_177 = vector.shape_cast %add3A_176 : vector<32x1xi32> to vector<32x1x1xi32>
    %lt3A_178 = vector.broadcast %broadcast_in_dim3A_11 : vector<1x392x128xi32> to vector<32x392x128xi32>
    %lt3A_179 = vector.broadcast %broadcast_in_dim3A_177 : vector<32x1x1xi32> to vector<32x392x128xi32>
    %lt3A_180 = arith.cmpi slt, %lt3A_178, %lt3A_179 : vector<32x392x128xi32>
    %convert_element_type3A_181 = arith.extui %lt3A_180 : vector<32x392x128xi1> to vector<32x392x128xi32>
    %convert_element_type3A_182 = arith.sitofp %convert_element_type3A_181 : vector<32x392x128xi32> to vector<32x392x128xf32>
    %reduce_sum3A_183 = arith.constant dense<0.000000e+00> : vector<32xf32>
    %reduce_sum3A_184 = vector.multi_reduction <add>, %convert_element_type3A_182, %reduce_sum3A_183 [1, 2] : vector<32x392x128xf32> to vector<32xf32>
    %broadcast_in_dim3A_185 = vector.shape_cast %reduce_sum3A_184 : vector<32xf32> to vector<32x1xf32>
    %le3A_186 = arith.cmpf ole, %broadcast_in_dim3A_185, %get3A_9 : vector<32x1xf32>
    %select_n3A_187 = arith.select %le3A_186, %add3A_176, %select_n3A_173 : vector<32x1xi1>, vector<32x1xi32>
    %add3A_188 = arith.constant 8192 : i32
    %add3A_189 = vector.broadcast %add3A_188 : i32 to vector<32x1xi32>
    %add3A_190 = arith.addi %select_n3A_187, %add3A_189 : vector<32x1xi32>
    %broadcast_in_dim3A_191 = vector.shape_cast %add3A_190 : vector<32x1xi32> to vector<32x1x1xi32>
    %lt3A_192 = vector.broadcast %broadcast_in_dim3A_11 : vector<1x392x128xi32> to vector<32x392x128xi32>
    %lt3A_193 = vector.broadcast %broadcast_in_dim3A_191 : vector<32x1x1xi32> to vector<32x392x128xi32>
    %lt3A_194 = arith.cmpi slt, %lt3A_192, %lt3A_193 : vector<32x392x128xi32>
    %convert_element_type3A_195 = arith.extui %lt3A_194 : vector<32x392x128xi1> to vector<32x392x128xi32>
    %convert_element_type3A_196 = arith.sitofp %convert_element_type3A_195 : vector<32x392x128xi32> to vector<32x392x128xf32>
    %reduce_sum3A_197 = arith.constant dense<0.000000e+00> : vector<32xf32>
    %reduce_sum3A_198 = vector.multi_reduction <add>, %convert_element_type3A_196, %reduce_sum3A_197 [1, 2] : vector<32x392x128xf32> to vector<32xf32>
    %broadcast_in_dim3A_199 = vector.shape_cast %reduce_sum3A_198 : vector<32xf32> to vector<32x1xf32>
    %le3A_200 = arith.cmpf ole, %broadcast_in_dim3A_199, %get3A_9 : vector<32x1xf32>
    %select_n3A_201 = arith.select %le3A_200, %add3A_190, %select_n3A_187 : vector<32x1xi1>, vector<32x1xi32>
    %add3A_202 = arith.constant 4096 : i32
    %add3A_203 = vector.broadcast %add3A_202 : i32 to vector<32x1xi32>
    %add3A_204 = arith.addi %select_n3A_201, %add3A_203 : vector<32x1xi32>
    %broadcast_in_dim3A_205 = vector.shape_cast %add3A_204 : vector<32x1xi32> to vector<32x1x1xi32>
    %lt3A_206 = vector.broadcast %broadcast_in_dim3A_11 : vector<1x392x128xi32> to vector<32x392x128xi32>
    %lt3A_207 = vector.broadcast %broadcast_in_dim3A_205 : vector<32x1x1xi32> to vector<32x392x128xi32>
    %lt3A_208 = arith.cmpi slt, %lt3A_206, %lt3A_207 : vector<32x392x128xi32>
    %convert_element_type3A_209 = arith.extui %lt3A_208 : vector<32x392x128xi1> to vector<32x392x128xi32>
    %convert_element_type3A_210 = arith.sitofp %convert_element_type3A_209 : vector<32x392x128xi32> to vector<32x392x128xf32>
    %reduce_sum3A_211 = arith.constant dense<0.000000e+00> : vector<32xf32>
    %reduce_sum3A_212 = vector.multi_reduction <add>, %convert_element_type3A_210, %reduce_sum3A_211 [1, 2] : vector<32x392x128xf32> to vector<32xf32>
    %broadcast_in_dim3A_213 = vector.shape_cast %reduce_sum3A_212 : vector<32xf32> to vector<32x1xf32>
    %le3A_214 = arith.cmpf ole, %broadcast_in_dim3A_213, %get3A_9 : vector<32x1xf32>
    %select_n3A_215 = arith.select %le3A_214, %add3A_204, %select_n3A_201 : vector<32x1xi1>, vector<32x1xi32>
    %add3A_216 = arith.constant 2048 : i32
    %add3A_217 = vector.broadcast %add3A_216 : i32 to vector<32x1xi32>
    %add3A_218 = arith.addi %select_n3A_215, %add3A_217 : vector<32x1xi32>
    %broadcast_in_dim3A_219 = vector.shape_cast %add3A_218 : vector<32x1xi32> to vector<32x1x1xi32>
    %lt3A_220 = vector.broadcast %broadcast_in_dim3A_11 : vector<1x392x128xi32> to vector<32x392x128xi32>
    %lt3A_221 = vector.broadcast %broadcast_in_dim3A_219 : vector<32x1x1xi32> to vector<32x392x128xi32>
    %lt3A_222 = arith.cmpi slt, %lt3A_220, %lt3A_221 : vector<32x392x128xi32>
    %convert_element_type3A_223 = arith.extui %lt3A_222 : vector<32x392x128xi1> to vector<32x392x128xi32>
    %convert_element_type3A_224 = arith.sitofp %convert_element_type3A_223 : vector<32x392x128xi32> to vector<32x392x128xf32>
    %reduce_sum3A_225 = arith.constant dense<0.000000e+00> : vector<32xf32>
    %reduce_sum3A_226 = vector.multi_reduction <add>, %convert_element_type3A_224, %reduce_sum3A_225 [1, 2] : vector<32x392x128xf32> to vector<32xf32>
    %broadcast_in_dim3A_227 = vector.shape_cast %reduce_sum3A_226 : vector<32xf32> to vector<32x1xf32>
    %le3A_228 = arith.cmpf ole, %broadcast_in_dim3A_227, %get3A_9 : vector<32x1xf32>
    %select_n3A_229 = arith.select %le3A_228, %add3A_218, %select_n3A_215 : vector<32x1xi1>, vector<32x1xi32>
    %add3A_230 = arith.constant 1024 : i32
    %add3A_231 = vector.broadcast %add3A_230 : i32 to vector<32x1xi32>
    %add3A_232 = arith.addi %select_n3A_229, %add3A_231 : vector<32x1xi32>
    %broadcast_in_dim3A_233 = vector.shape_cast %add3A_232 : vector<32x1xi32> to vector<32x1x1xi32>
    %lt3A_234 = vector.broadcast %broadcast_in_dim3A_11 : vector<1x392x128xi32> to vector<32x392x128xi32>
    %lt3A_235 = vector.broadcast %broadcast_in_dim3A_233 : vector<32x1x1xi32> to vector<32x392x128xi32>
    %lt3A_236 = arith.cmpi slt, %lt3A_234, %lt3A_235 : vector<32x392x128xi32>
    %convert_element_type3A_237 = arith.extui %lt3A_236 : vector<32x392x128xi1> to vector<32x392x128xi32>
    %convert_element_type3A_238 = arith.sitofp %convert_element_type3A_237 : vector<32x392x128xi32> to vector<32x392x128xf32>
    %reduce_sum3A_239 = arith.constant dense<0.000000e+00> : vector<32xf32>
    %reduce_sum3A_240 = vector.multi_reduction <add>, %convert_element_type3A_238, %reduce_sum3A_239 [1, 2] : vector<32x392x128xf32> to vector<32xf32>
    %broadcast_in_dim3A_241 = vector.shape_cast %reduce_sum3A_240 : vector<32xf32> to vector<32x1xf32>
    %le3A_242 = arith.cmpf ole, %broadcast_in_dim3A_241, %get3A_9 : vector<32x1xf32>
    %select_n3A_243 = arith.select %le3A_242, %add3A_232, %select_n3A_229 : vector<32x1xi1>, vector<32x1xi32>
    %add3A_244 = arith.constant 512 : i32
    %add3A_245 = vector.broadcast %add3A_244 : i32 to vector<32x1xi32>
    %add3A_246 = arith.addi %select_n3A_243, %add3A_245 : vector<32x1xi32>
    %broadcast_in_dim3A_247 = vector.shape_cast %add3A_246 : vector<32x1xi32> to vector<32x1x1xi32>
    %lt3A_248 = vector.broadcast %broadcast_in_dim3A_11 : vector<1x392x128xi32> to vector<32x392x128xi32>
    %lt3A_249 = vector.broadcast %broadcast_in_dim3A_247 : vector<32x1x1xi32> to vector<32x392x128xi32>
    %lt3A_250 = arith.cmpi slt, %lt3A_248, %lt3A_249 : vector<32x392x128xi32>
    %convert_element_type3A_251 = arith.extui %lt3A_250 : vector<32x392x128xi1> to vector<32x392x128xi32>
    %convert_element_type3A_252 = arith.sitofp %convert_element_type3A_251 : vector<32x392x128xi32> to vector<32x392x128xf32>
    %reduce_sum3A_253 = arith.constant dense<0.000000e+00> : vector<32xf32>
    %reduce_sum3A_254 = vector.multi_reduction <add>, %convert_element_type3A_252, %reduce_sum3A_253 [1, 2] : vector<32x392x128xf32> to vector<32xf32>
    %broadcast_in_dim3A_255 = vector.shape_cast %reduce_sum3A_254 : vector<32xf32> to vector<32x1xf32>
    %le3A_256 = arith.cmpf ole, %broadcast_in_dim3A_255, %get3A_9 : vector<32x1xf32>
    %select_n3A_257 = arith.select %le3A_256, %add3A_246, %select_n3A_243 : vector<32x1xi1>, vector<32x1xi32>
    %add3A_258 = arith.constant 256 : i32
    %add3A_259 = vector.broadcast %add3A_258 : i32 to vector<32x1xi32>
    %add3A_260 = arith.addi %select_n3A_257, %add3A_259 : vector<32x1xi32>
    %broadcast_in_dim3A_261 = vector.shape_cast %add3A_260 : vector<32x1xi32> to vector<32x1x1xi32>
    %lt3A_262 = vector.broadcast %broadcast_in_dim3A_11 : vector<1x392x128xi32> to vector<32x392x128xi32>
    %lt3A_263 = vector.broadcast %broadcast_in_dim3A_261 : vector<32x1x1xi32> to vector<32x392x128xi32>
    %lt3A_264 = arith.cmpi slt, %lt3A_262, %lt3A_263 : vector<32x392x128xi32>
    %convert_element_type3A_265 = arith.extui %lt3A_264 : vector<32x392x128xi1> to vector<32x392x128xi32>
    %convert_element_type3A_266 = arith.sitofp %convert_element_type3A_265 : vector<32x392x128xi32> to vector<32x392x128xf32>
    %reduce_sum3A_267 = arith.constant dense<0.000000e+00> : vector<32xf32>
    %reduce_sum3A_268 = vector.multi_reduction <add>, %convert_element_type3A_266, %reduce_sum3A_267 [1, 2] : vector<32x392x128xf32> to vector<32xf32>
    %broadcast_in_dim3A_269 = vector.shape_cast %reduce_sum3A_268 : vector<32xf32> to vector<32x1xf32>
    %le3A_270 = arith.cmpf ole, %broadcast_in_dim3A_269, %get3A_9 : vector<32x1xf32>
    %select_n3A_271 = arith.select %le3A_270, %add3A_260, %select_n3A_257 : vector<32x1xi1>, vector<32x1xi32>
    %add3A_272 = arith.constant 128 : i32
    %add3A_273 = vector.broadcast %add3A_272 : i32 to vector<32x1xi32>
    %add3A_274 = arith.addi %select_n3A_271, %add3A_273 : vector<32x1xi32>
    %broadcast_in_dim3A_275 = vector.shape_cast %add3A_274 : vector<32x1xi32> to vector<32x1x1xi32>
    %lt3A_276 = vector.broadcast %broadcast_in_dim3A_11 : vector<1x392x128xi32> to vector<32x392x128xi32>
    %lt3A_277 = vector.broadcast %broadcast_in_dim3A_275 : vector<32x1x1xi32> to vector<32x392x128xi32>
    %lt3A_278 = arith.cmpi slt, %lt3A_276, %lt3A_277 : vector<32x392x128xi32>
    %convert_element_type3A_279 = arith.extui %lt3A_278 : vector<32x392x128xi1> to vector<32x392x128xi32>
    %convert_element_type3A_280 = arith.sitofp %convert_element_type3A_279 : vector<32x392x128xi32> to vector<32x392x128xf32>
    %reduce_sum3A_281 = arith.constant dense<0.000000e+00> : vector<32xf32>
    %reduce_sum3A_282 = vector.multi_reduction <add>, %convert_element_type3A_280, %reduce_sum3A_281 [1, 2] : vector<32x392x128xf32> to vector<32xf32>
    %broadcast_in_dim3A_283 = vector.shape_cast %reduce_sum3A_282 : vector<32xf32> to vector<32x1xf32>
    %le3A_284 = arith.cmpf ole, %broadcast_in_dim3A_283, %get3A_9 : vector<32x1xf32>
    %select_n3A_285 = arith.select %le3A_284, %add3A_274, %select_n3A_271 : vector<32x1xi1>, vector<32x1xi32>
    %add3A_286 = arith.constant 64 : i32
    %add3A_287 = vector.broadcast %add3A_286 : i32 to vector<32x1xi32>
    %add3A_288 = arith.addi %select_n3A_285, %add3A_287 : vector<32x1xi32>
    %broadcast_in_dim3A_289 = vector.shape_cast %add3A_288 : vector<32x1xi32> to vector<32x1x1xi32>
    %lt3A_290 = vector.broadcast %broadcast_in_dim3A_11 : vector<1x392x128xi32> to vector<32x392x128xi32>
    %lt3A_291 = vector.broadcast %broadcast_in_dim3A_289 : vector<32x1x1xi32> to vector<32x392x128xi32>
    %lt3A_292 = arith.cmpi slt, %lt3A_290, %lt3A_291 : vector<32x392x128xi32>
    %convert_element_type3A_293 = arith.extui %lt3A_292 : vector<32x392x128xi1> to vector<32x392x128xi32>
    %convert_element_type3A_294 = arith.sitofp %convert_element_type3A_293 : vector<32x392x128xi32> to vector<32x392x128xf32>
    %reduce_sum3A_295 = arith.constant dense<0.000000e+00> : vector<32xf32>
    %reduce_sum3A_296 = vector.multi_reduction <add>, %convert_element_type3A_294, %reduce_sum3A_295 [1, 2] : vector<32x392x128xf32> to vector<32xf32>
    %broadcast_in_dim3A_297 = vector.shape_cast %reduce_sum3A_296 : vector<32xf32> to vector<32x1xf32>
    %le3A_298 = arith.cmpf ole, %broadcast_in_dim3A_297, %get3A_9 : vector<32x1xf32>
    %select_n3A_299 = arith.select %le3A_298, %add3A_288, %select_n3A_285 : vector<32x1xi1>, vector<32x1xi32>
    %add3A_300 = arith.constant 981467136 : i32
    %add3A_301 = vector.broadcast %add3A_300 : i32 to vector<32x1xi32>
    %add3A_302 = arith.addi %select_n3A_299, %add3A_301 : vector<32x1xi32>
    %bitcast_convert_type3A_303 = tpu.bitcast %add3A_302 : vector<32x1xi32> -> vector<32x1xf32>
    %get3A_304 = arith.constant 0 : index
    %get3A_305 = arith.constant 0 : index
    %get3A_306 = vector.load %arg3[%get3A_304, %get3A_305] : memref<32x16xf32, #tpu.memory_space<vmem>>, vector<32x16xf32>
    %mul3A = vector.broadcast %bitcast_convert_type3A_303 : vector<32x1xf32> to vector<32x16xf32>
    %mul3A_307 = arith.mulf %mul3A, %get3A_306 : vector<32x16xf32>
    %reduce_sum3A_308 = arith.constant dense<0.000000e+00> : vector<16xf32>
    %reduce_sum3A_309 = vector.multi_reduction <add>, %mul3A_307, %reduce_sum3A_308 [0] : vector<32x16xf32> to vector<16xf32>
    %broadcast_in_dim3A_310 = vector.shape_cast %reduce_sum3A_309 : vector<16xf32> to vector<1x16xf32>
    %broadcast_in_dim3A_311 = arith.constant 0.000000e+00 : f32
    %broadcast_in_dim3A_312 = vector.broadcast %broadcast_in_dim3A_311 : f32 to vector<1x1xf32>
    %slice3A = vector.extract_strided_slice %broadcast_in_dim3A_310 {offsets = [0, 0], sizes = [1, 1], strides = [1, 1]} : vector<1x16xf32> to vector<1x1xf32>
    %squeeze3A = vector.extract %slice3A[0, 0] : f32 from vector<1x1xf32>
    %gt3A = vector.broadcast %squeeze3A : f32 to vector<392x128xf32>
    %gt3A_313 = arith.cmpf ogt, %get3A_1, %gt3A : vector<392x128xf32>
    %slice3A_314 = vector.extract_strided_slice %broadcast_in_dim3A_310 {offsets = [0, 1], sizes = [1, 1], strides = [1, 1]} : vector<1x16xf32> to vector<1x1xf32>
    %squeeze3A_315 = vector.extract %slice3A_314[0, 0] : f32 from vector<1x1xf32>
    %le3A_316 = vector.broadcast %squeeze3A_315 : f32 to vector<392x128xf32>
    %le3A_317 = arith.cmpf ole, %get3A_1, %le3A_316 : vector<392x128xf32>
    %and3A = arith.andi %gt3A_313, %le3A_317 : vector<392x128xi1>
    %convert_element_type3A_318 = arith.extui %and3A : vector<392x128xi1> to vector<392x128xi32>
    %convert_element_type3A_319 = arith.sitofp %convert_element_type3A_318 : vector<392x128xi32> to vector<392x128xf32>
    %reduce_sum3A_320 = vector.shape_cast %convert_element_type3A_319 : vector<392x128xf32> to vector<1x392x128xf32>
    %reduce_sum3A_321 = arith.constant dense<0.000000e+00> : vector<1xf32>
    %reduce_sum3A_322 = vector.multi_reduction <add>, %reduce_sum3A_320, %reduce_sum3A_321 [1, 2] : vector<1x392x128xf32> to vector<1xf32>
    %reduce_sum3A_323 = vector.shape_cast %reduce_sum3A_322 : vector<1xf32> to vector<1x1x1xf32>
    %reduce_sum3A_324 = vector.extract %reduce_sum3A_323[0, 0, 0] : f32 from vector<1x1x1xf32>
    %broadcast_in_dim3A_325 = vector.broadcast %reduce_sum3A_324 : f32 to vector<1x1xf32>
    %mul3A_326 = arith.mulf %get3A_4, %convert_element_type3A_319 : vector<392x128xf32>
    %reduce_sum3A_327 = vector.shape_cast %mul3A_326 : vector<392x128xf32> to vector<1x392x128xf32>
    %reduce_sum3A_328 = arith.constant dense<0.000000e+00> : vector<1xf32>
    %reduce_sum3A_329 = vector.multi_reduction <add>, %reduce_sum3A_327, %reduce_sum3A_328 [1, 2] : vector<1x392x128xf32> to vector<1xf32>
    %reduce_sum3A_330 = vector.shape_cast %reduce_sum3A_329 : vector<1xf32> to vector<1x1x1xf32>
    %reduce_sum3A_331 = vector.extract %reduce_sum3A_330[0, 0, 0] : f32 from vector<1x1x1xf32>
    %broadcast_in_dim3A_332 = vector.broadcast %reduce_sum3A_331 : f32 to vector<1x1xf32>
    %mul3A_333 = arith.mulf %get3A_1, %convert_element_type3A_319 : vector<392x128xf32>
    %reduce_sum3A_334 = vector.shape_cast %mul3A_333 : vector<392x128xf32> to vector<1x392x128xf32>
    %reduce_sum3A_335 = arith.constant dense<0.000000e+00> : vector<1xf32>
    %reduce_sum3A_336 = vector.multi_reduction <add>, %reduce_sum3A_334, %reduce_sum3A_335 [1, 2] : vector<1x392x128xf32> to vector<1xf32>
    %reduce_sum3A_337 = vector.shape_cast %reduce_sum3A_336 : vector<1xf32> to vector<1x1x1xf32>
    %reduce_sum3A_338 = vector.extract %reduce_sum3A_337[0, 0, 0] : f32 from vector<1x1x1xf32>
    %broadcast_in_dim3A_339 = vector.broadcast %reduce_sum3A_338 : f32 to vector<1x1xf32>
    %max3A = arith.constant 1.000000e+00 : f32
    %max3A_340 = vector.broadcast %max3A : f32 to vector<1x1xf32>
    %max3A_341 = arith.maximumf %broadcast_in_dim3A_325, %max3A_340 : vector<1x1xf32>
    %div3A = arith.divf %broadcast_in_dim3A_332, %max3A_341 : vector<1x1xf32>
    %jit3A = arith.constant 0.00999999977 : f32
    %jit3A_342 = arith.constant 9.900000e-01 : f32
    %max3A_343 = vector.broadcast %jit3A : f32 to vector<1x1xf32>
    %max3A_344 = arith.maximumf %max3A_343, %div3A : vector<1x1xf32>
    %min3A = vector.broadcast %jit3A_342 : f32 to vector<1x1xf32>
    %min3A_345 = arith.minimumf %min3A, %max3A_344 : vector<1x1xf32>
    %div3A_346 = arith.divf %broadcast_in_dim3A_339, %max3A_341 : vector<1x1xf32>
    %sub3A_347 = arith.subf %div3A_346, %min3A_345 : vector<1x1xf32>
    %abs3A = math.absf %sub3A_347 : vector<1x1xf32>
    %div3A_348 = arith.constant 5.000000e+04 : f32
    %div3A_349 = vector.broadcast %div3A_348 : f32 to vector<1x1xf32>
    %div3A_350 = arith.divf %broadcast_in_dim3A_325, %div3A_349 : vector<1x1xf32>
    %mul3A_351 = arith.mulf %abs3A, %div3A_350 : vector<1x1xf32>
    %gt3A_352 = arith.constant 0.000000e+00 : f32
    %gt3A_353 = vector.broadcast %gt3A_352 : f32 to vector<1x1xf32>
    %gt3A_354 = arith.cmpf ogt, %broadcast_in_dim3A_325, %gt3A_353 : vector<1x1xf32>
    %jit3A_355 = arith.constant 0.000000e+00 : f32
    %broadcast_in_dim3A_356 = vector.broadcast %jit3A_355 : f32 to vector<1x1xf32>
    %select_n3A_357 = arith.select %gt3A_354, %mul3A_351, %broadcast_in_dim3A_356 : vector<1x1xi1>, vector<1x1xf32>
    %add3A_358 = arith.addf %broadcast_in_dim3A_312, %select_n3A_357 : vector<1x1xf32>
    %slice3A_359 = vector.extract_strided_slice %broadcast_in_dim3A_310 {offsets = [0, 1], sizes = [1, 1], strides = [1, 1]} : vector<1x16xf32> to vector<1x1xf32>
    %squeeze3A_360 = vector.extract %slice3A_359[0, 0] : f32 from vector<1x1xf32>
    %gt3A_361 = vector.broadcast %squeeze3A_360 : f32 to vector<392x128xf32>
    %gt3A_362 = arith.cmpf ogt, %get3A_1, %gt3A_361 : vector<392x128xf32>
    %slice3A_363 = vector.extract_strided_slice %broadcast_in_dim3A_310 {offsets = [0, 2], sizes = [1, 1], strides = [1, 1]} : vector<1x16xf32> to vector<1x1xf32>
    %squeeze3A_364 = vector.extract %slice3A_363[0, 0] : f32 from vector<1x1xf32>
    %le3A_365 = vector.broadcast %squeeze3A_364 : f32 to vector<392x128xf32>
    %le3A_366 = arith.cmpf ole, %get3A_1, %le3A_365 : vector<392x128xf32>
    %and3A_367 = arith.andi %gt3A_362, %le3A_366 : vector<392x128xi1>
    %convert_element_type3A_368 = arith.extui %and3A_367 : vector<392x128xi1> to vector<392x128xi32>
    %convert_element_type3A_369 = arith.sitofp %convert_element_type3A_368 : vector<392x128xi32> to vector<392x128xf32>
    %reduce_sum3A_370 = vector.shape_cast %convert_element_type3A_369 : vector<392x128xf32> to vector<1x392x128xf32>
    %reduce_sum3A_371 = arith.constant dense<0.000000e+00> : vector<1xf32>
    %reduce_sum3A_372 = vector.multi_reduction <add>, %reduce_sum3A_370, %reduce_sum3A_371 [1, 2] : vector<1x392x128xf32> to vector<1xf32>
    %reduce_sum3A_373 = vector.shape_cast %reduce_sum3A_372 : vector<1xf32> to vector<1x1x1xf32>
    %reduce_sum3A_374 = vector.extract %reduce_sum3A_373[0, 0, 0] : f32 from vector<1x1x1xf32>
    %broadcast_in_dim3A_375 = vector.broadcast %reduce_sum3A_374 : f32 to vector<1x1xf32>
    %mul3A_376 = arith.mulf %get3A_4, %convert_element_type3A_369 : vector<392x128xf32>
    %reduce_sum3A_377 = vector.shape_cast %mul3A_376 : vector<392x128xf32> to vector<1x392x128xf32>
    %reduce_sum3A_378 = arith.constant dense<0.000000e+00> : vector<1xf32>
    %reduce_sum3A_379 = vector.multi_reduction <add>, %reduce_sum3A_377, %reduce_sum3A_378 [1, 2] : vector<1x392x128xf32> to vector<1xf32>
    %reduce_sum3A_380 = vector.shape_cast %reduce_sum3A_379 : vector<1xf32> to vector<1x1x1xf32>
    %reduce_sum3A_381 = vector.extract %reduce_sum3A_380[0, 0, 0] : f32 from vector<1x1x1xf32>
    %broadcast_in_dim3A_382 = vector.broadcast %reduce_sum3A_381 : f32 to vector<1x1xf32>
    %mul3A_383 = arith.mulf %get3A_1, %convert_element_type3A_369 : vector<392x128xf32>
    %reduce_sum3A_384 = vector.shape_cast %mul3A_383 : vector<392x128xf32> to vector<1x392x128xf32>
    %reduce_sum3A_385 = arith.constant dense<0.000000e+00> : vector<1xf32>
    %reduce_sum3A_386 = vector.multi_reduction <add>, %reduce_sum3A_384, %reduce_sum3A_385 [1, 2] : vector<1x392x128xf32> to vector<1xf32>
    %reduce_sum3A_387 = vector.shape_cast %reduce_sum3A_386 : vector<1xf32> to vector<1x1x1xf32>
    %reduce_sum3A_388 = vector.extract %reduce_sum3A_387[0, 0, 0] : f32 from vector<1x1x1xf32>
    %broadcast_in_dim3A_389 = vector.broadcast %reduce_sum3A_388 : f32 to vector<1x1xf32>
    %max3A_390 = arith.constant 1.000000e+00 : f32
    %max3A_391 = vector.broadcast %max3A_390 : f32 to vector<1x1xf32>
    %max3A_392 = arith.maximumf %broadcast_in_dim3A_375, %max3A_391 : vector<1x1xf32>
    %div3A_393 = arith.divf %broadcast_in_dim3A_382, %max3A_392 : vector<1x1xf32>
    %jit3A_394 = arith.constant 0.00999999977 : f32
    %jit3A_395 = arith.constant 9.900000e-01 : f32
    %max3A_396 = vector.broadcast %jit3A_394 : f32 to vector<1x1xf32>
    %max3A_397 = arith.maximumf %max3A_396, %div3A_393 : vector<1x1xf32>
    %min3A_398 = vector.broadcast %jit3A_395 : f32 to vector<1x1xf32>
    %min3A_399 = arith.minimumf %min3A_398, %max3A_397 : vector<1x1xf32>
    %div3A_400 = arith.divf %broadcast_in_dim3A_389, %max3A_392 : vector<1x1xf32>
    %sub3A_401 = arith.subf %div3A_400, %min3A_399 : vector<1x1xf32>
    %abs3A_402 = math.absf %sub3A_401 : vector<1x1xf32>
    %div3A_403 = arith.constant 5.000000e+04 : f32
    %div3A_404 = vector.broadcast %div3A_403 : f32 to vector<1x1xf32>
    %div3A_405 = arith.divf %broadcast_in_dim3A_375, %div3A_404 : vector<1x1xf32>
    %mul3A_406 = arith.mulf %abs3A_402, %div3A_405 : vector<1x1xf32>
    %gt3A_407 = arith.constant 0.000000e+00 : f32
    %gt3A_408 = vector.broadcast %gt3A_407 : f32 to vector<1x1xf32>
    %gt3A_409 = arith.cmpf ogt, %broadcast_in_dim3A_375, %gt3A_408 : vector<1x1xf32>
    %jit3A_410 = arith.constant 0.000000e+00 : f32
    %broadcast_in_dim3A_411 = vector.broadcast %jit3A_410 : f32 to vector<1x1xf32>
    %select_n3A_412 = arith.select %gt3A_409, %mul3A_406, %broadcast_in_dim3A_411 : vector<1x1xi1>, vector<1x1xf32>
    %add3A_413 = arith.addf %add3A_358, %select_n3A_412 : vector<1x1xf32>
    %slice3A_414 = vector.extract_strided_slice %broadcast_in_dim3A_310 {offsets = [0, 2], sizes = [1, 1], strides = [1, 1]} : vector<1x16xf32> to vector<1x1xf32>
    %squeeze3A_415 = vector.extract %slice3A_414[0, 0] : f32 from vector<1x1xf32>
    %gt3A_416 = vector.broadcast %squeeze3A_415 : f32 to vector<392x128xf32>
    %gt3A_417 = arith.cmpf ogt, %get3A_1, %gt3A_416 : vector<392x128xf32>
    %slice3A_418 = vector.extract_strided_slice %broadcast_in_dim3A_310 {offsets = [0, 3], sizes = [1, 1], strides = [1, 1]} : vector<1x16xf32> to vector<1x1xf32>
    %squeeze3A_419 = vector.extract %slice3A_418[0, 0] : f32 from vector<1x1xf32>
    %le3A_420 = vector.broadcast %squeeze3A_419 : f32 to vector<392x128xf32>
    %le3A_421 = arith.cmpf ole, %get3A_1, %le3A_420 : vector<392x128xf32>
    %and3A_422 = arith.andi %gt3A_417, %le3A_421 : vector<392x128xi1>
    %convert_element_type3A_423 = arith.extui %and3A_422 : vector<392x128xi1> to vector<392x128xi32>
    %convert_element_type3A_424 = arith.sitofp %convert_element_type3A_423 : vector<392x128xi32> to vector<392x128xf32>
    %reduce_sum3A_425 = vector.shape_cast %convert_element_type3A_424 : vector<392x128xf32> to vector<1x392x128xf32>
    %reduce_sum3A_426 = arith.constant dense<0.000000e+00> : vector<1xf32>
    %reduce_sum3A_427 = vector.multi_reduction <add>, %reduce_sum3A_425, %reduce_sum3A_426 [1, 2] : vector<1x392x128xf32> to vector<1xf32>
    %reduce_sum3A_428 = vector.shape_cast %reduce_sum3A_427 : vector<1xf32> to vector<1x1x1xf32>
    %reduce_sum3A_429 = vector.extract %reduce_sum3A_428[0, 0, 0] : f32 from vector<1x1x1xf32>
    %broadcast_in_dim3A_430 = vector.broadcast %reduce_sum3A_429 : f32 to vector<1x1xf32>
    %mul3A_431 = arith.mulf %get3A_4, %convert_element_type3A_424 : vector<392x128xf32>
    %reduce_sum3A_432 = vector.shape_cast %mul3A_431 : vector<392x128xf32> to vector<1x392x128xf32>
    %reduce_sum3A_433 = arith.constant dense<0.000000e+00> : vector<1xf32>
    %reduce_sum3A_434 = vector.multi_reduction <add>, %reduce_sum3A_432, %reduce_sum3A_433 [1, 2] : vector<1x392x128xf32> to vector<1xf32>
    %reduce_sum3A_435 = vector.shape_cast %reduce_sum3A_434 : vector<1xf32> to vector<1x1x1xf32>
    %reduce_sum3A_436 = vector.extract %reduce_sum3A_435[0, 0, 0] : f32 from vector<1x1x1xf32>
    %broadcast_in_dim3A_437 = vector.broadcast %reduce_sum3A_436 : f32 to vector<1x1xf32>
    %mul3A_438 = arith.mulf %get3A_1, %convert_element_type3A_424 : vector<392x128xf32>
    %reduce_sum3A_439 = vector.shape_cast %mul3A_438 : vector<392x128xf32> to vector<1x392x128xf32>
    %reduce_sum3A_440 = arith.constant dense<0.000000e+00> : vector<1xf32>
    %reduce_sum3A_441 = vector.multi_reduction <add>, %reduce_sum3A_439, %reduce_sum3A_440 [1, 2] : vector<1x392x128xf32> to vector<1xf32>
    %reduce_sum3A_442 = vector.shape_cast %reduce_sum3A_441 : vector<1xf32> to vector<1x1x1xf32>
    %reduce_sum3A_443 = vector.extract %reduce_sum3A_442[0, 0, 0] : f32 from vector<1x1x1xf32>
    %broadcast_in_dim3A_444 = vector.broadcast %reduce_sum3A_443 : f32 to vector<1x1xf32>
    %max3A_445 = arith.constant 1.000000e+00 : f32
    %max3A_446 = vector.broadcast %max3A_445 : f32 to vector<1x1xf32>
    %max3A_447 = arith.maximumf %broadcast_in_dim3A_430, %max3A_446 : vector<1x1xf32>
    %div3A_448 = arith.divf %broadcast_in_dim3A_437, %max3A_447 : vector<1x1xf32>
    %jit3A_449 = arith.constant 0.00999999977 : f32
    %jit3A_450 = arith.constant 9.900000e-01 : f32
    %max3A_451 = vector.broadcast %jit3A_449 : f32 to vector<1x1xf32>
    %max3A_452 = arith.maximumf %max3A_451, %div3A_448 : vector<1x1xf32>
    %min3A_453 = vector.broadcast %jit3A_450 : f32 to vector<1x1xf32>
    %min3A_454 = arith.minimumf %min3A_453, %max3A_452 : vector<1x1xf32>
    %div3A_455 = arith.divf %broadcast_in_dim3A_444, %max3A_447 : vector<1x1xf32>
    %sub3A_456 = arith.subf %div3A_455, %min3A_454 : vector<1x1xf32>
    %abs3A_457 = math.absf %sub3A_456 : vector<1x1xf32>
    %div3A_458 = arith.constant 5.000000e+04 : f32
    %div3A_459 = vector.broadcast %div3A_458 : f32 to vector<1x1xf32>
    %div3A_460 = arith.divf %broadcast_in_dim3A_430, %div3A_459 : vector<1x1xf32>
    %mul3A_461 = arith.mulf %abs3A_457, %div3A_460 : vector<1x1xf32>
    %gt3A_462 = arith.constant 0.000000e+00 : f32
    %gt3A_463 = vector.broadcast %gt3A_462 : f32 to vector<1x1xf32>
    %gt3A_464 = arith.cmpf ogt, %broadcast_in_dim3A_430, %gt3A_463 : vector<1x1xf32>
    %jit3A_465 = arith.constant 0.000000e+00 : f32
    %broadcast_in_dim3A_466 = vector.broadcast %jit3A_465 : f32 to vector<1x1xf32>
    %select_n3A_467 = arith.select %gt3A_464, %mul3A_461, %broadcast_in_dim3A_466 : vector<1x1xi1>, vector<1x1xf32>
    %add3A_468 = arith.addf %add3A_413, %select_n3A_467 : vector<1x1xf32>
    %slice3A_469 = vector.extract_strided_slice %broadcast_in_dim3A_310 {offsets = [0, 3], sizes = [1, 1], strides = [1, 1]} : vector<1x16xf32> to vector<1x1xf32>
    %squeeze3A_470 = vector.extract %slice3A_469[0, 0] : f32 from vector<1x1xf32>
    %gt3A_471 = vector.broadcast %squeeze3A_470 : f32 to vector<392x128xf32>
    %gt3A_472 = arith.cmpf ogt, %get3A_1, %gt3A_471 : vector<392x128xf32>
    %slice3A_473 = vector.extract_strided_slice %broadcast_in_dim3A_310 {offsets = [0, 4], sizes = [1, 1], strides = [1, 1]} : vector<1x16xf32> to vector<1x1xf32>
    %squeeze3A_474 = vector.extract %slice3A_473[0, 0] : f32 from vector<1x1xf32>
    %le3A_475 = vector.broadcast %squeeze3A_474 : f32 to vector<392x128xf32>
    %le3A_476 = arith.cmpf ole, %get3A_1, %le3A_475 : vector<392x128xf32>
    %and3A_477 = arith.andi %gt3A_472, %le3A_476 : vector<392x128xi1>
    %convert_element_type3A_478 = arith.extui %and3A_477 : vector<392x128xi1> to vector<392x128xi32>
    %convert_element_type3A_479 = arith.sitofp %convert_element_type3A_478 : vector<392x128xi32> to vector<392x128xf32>
    %reduce_sum3A_480 = vector.shape_cast %convert_element_type3A_479 : vector<392x128xf32> to vector<1x392x128xf32>
    %reduce_sum3A_481 = arith.constant dense<0.000000e+00> : vector<1xf32>
    %reduce_sum3A_482 = vector.multi_reduction <add>, %reduce_sum3A_480, %reduce_sum3A_481 [1, 2] : vector<1x392x128xf32> to vector<1xf32>
    %reduce_sum3A_483 = vector.shape_cast %reduce_sum3A_482 : vector<1xf32> to vector<1x1x1xf32>
    %reduce_sum3A_484 = vector.extract %reduce_sum3A_483[0, 0, 0] : f32 from vector<1x1x1xf32>
    %broadcast_in_dim3A_485 = vector.broadcast %reduce_sum3A_484 : f32 to vector<1x1xf32>
    %mul3A_486 = arith.mulf %get3A_4, %convert_element_type3A_479 : vector<392x128xf32>
    %reduce_sum3A_487 = vector.shape_cast %mul3A_486 : vector<392x128xf32> to vector<1x392x128xf32>
    %reduce_sum3A_488 = arith.constant dense<0.000000e+00> : vector<1xf32>
    %reduce_sum3A_489 = vector.multi_reduction <add>, %reduce_sum3A_487, %reduce_sum3A_488 [1, 2] : vector<1x392x128xf32> to vector<1xf32>
    %reduce_sum3A_490 = vector.shape_cast %reduce_sum3A_489 : vector<1xf32> to vector<1x1x1xf32>
    %reduce_sum3A_491 = vector.extract %reduce_sum3A_490[0, 0, 0] : f32 from vector<1x1x1xf32>
    %broadcast_in_dim3A_492 = vector.broadcast %reduce_sum3A_491 : f32 to vector<1x1xf32>
    %mul3A_493 = arith.mulf %get3A_1, %convert_element_type3A_479 : vector<392x128xf32>
    %reduce_sum3A_494 = vector.shape_cast %mul3A_493 : vector<392x128xf32> to vector<1x392x128xf32>
    %reduce_sum3A_495 = arith.constant dense<0.000000e+00> : vector<1xf32>
    %reduce_sum3A_496 = vector.multi_reduction <add>, %reduce_sum3A_494, %reduce_sum3A_495 [1, 2] : vector<1x392x128xf32> to vector<1xf32>
    %reduce_sum3A_497 = vector.shape_cast %reduce_sum3A_496 : vector<1xf32> to vector<1x1x1xf32>
    %reduce_sum3A_498 = vector.extract %reduce_sum3A_497[0, 0, 0] : f32 from vector<1x1x1xf32>
    %broadcast_in_dim3A_499 = vector.broadcast %reduce_sum3A_498 : f32 to vector<1x1xf32>
    %max3A_500 = arith.constant 1.000000e+00 : f32
    %max3A_501 = vector.broadcast %max3A_500 : f32 to vector<1x1xf32>
    %max3A_502 = arith.maximumf %broadcast_in_dim3A_485, %max3A_501 : vector<1x1xf32>
    %div3A_503 = arith.divf %broadcast_in_dim3A_492, %max3A_502 : vector<1x1xf32>
    %jit3A_504 = arith.constant 0.00999999977 : f32
    %jit3A_505 = arith.constant 9.900000e-01 : f32
    %max3A_506 = vector.broadcast %jit3A_504 : f32 to vector<1x1xf32>
    %max3A_507 = arith.maximumf %max3A_506, %div3A_503 : vector<1x1xf32>
    %min3A_508 = vector.broadcast %jit3A_505 : f32 to vector<1x1xf32>
    %min3A_509 = arith.minimumf %min3A_508, %max3A_507 : vector<1x1xf32>
    %div3A_510 = arith.divf %broadcast_in_dim3A_499, %max3A_502 : vector<1x1xf32>
    %sub3A_511 = arith.subf %div3A_510, %min3A_509 : vector<1x1xf32>
    %abs3A_512 = math.absf %sub3A_511 : vector<1x1xf32>
    %div3A_513 = arith.constant 5.000000e+04 : f32
    %div3A_514 = vector.broadcast %div3A_513 : f32 to vector<1x1xf32>
    %div3A_515 = arith.divf %broadcast_in_dim3A_485, %div3A_514 : vector<1x1xf32>
    %mul3A_516 = arith.mulf %abs3A_512, %div3A_515 : vector<1x1xf32>
    %gt3A_517 = arith.constant 0.000000e+00 : f32
    %gt3A_518 = vector.broadcast %gt3A_517 : f32 to vector<1x1xf32>
    %gt3A_519 = arith.cmpf ogt, %broadcast_in_dim3A_485, %gt3A_518 : vector<1x1xf32>
    %jit3A_520 = arith.constant 0.000000e+00 : f32
    %broadcast_in_dim3A_521 = vector.broadcast %jit3A_520 : f32 to vector<1x1xf32>
    %select_n3A_522 = arith.select %gt3A_519, %mul3A_516, %broadcast_in_dim3A_521 : vector<1x1xi1>, vector<1x1xf32>
    %add3A_523 = arith.addf %add3A_468, %select_n3A_522 : vector<1x1xf32>
    %slice3A_524 = vector.extract_strided_slice %broadcast_in_dim3A_310 {offsets = [0, 4], sizes = [1, 1], strides = [1, 1]} : vector<1x16xf32> to vector<1x1xf32>
    %squeeze3A_525 = vector.extract %slice3A_524[0, 0] : f32 from vector<1x1xf32>
    %gt3A_526 = vector.broadcast %squeeze3A_525 : f32 to vector<392x128xf32>
    %gt3A_527 = arith.cmpf ogt, %get3A_1, %gt3A_526 : vector<392x128xf32>
    %slice3A_528 = vector.extract_strided_slice %broadcast_in_dim3A_310 {offsets = [0, 5], sizes = [1, 1], strides = [1, 1]} : vector<1x16xf32> to vector<1x1xf32>
    %squeeze3A_529 = vector.extract %slice3A_528[0, 0] : f32 from vector<1x1xf32>
    %le3A_530 = vector.broadcast %squeeze3A_529 : f32 to vector<392x128xf32>
    %le3A_531 = arith.cmpf ole, %get3A_1, %le3A_530 : vector<392x128xf32>
    %and3A_532 = arith.andi %gt3A_527, %le3A_531 : vector<392x128xi1>
    %convert_element_type3A_533 = arith.extui %and3A_532 : vector<392x128xi1> to vector<392x128xi32>
    %convert_element_type3A_534 = arith.sitofp %convert_element_type3A_533 : vector<392x128xi32> to vector<392x128xf32>
    %reduce_sum3A_535 = vector.shape_cast %convert_element_type3A_534 : vector<392x128xf32> to vector<1x392x128xf32>
    %reduce_sum3A_536 = arith.constant dense<0.000000e+00> : vector<1xf32>
    %reduce_sum3A_537 = vector.multi_reduction <add>, %reduce_sum3A_535, %reduce_sum3A_536 [1, 2] : vector<1x392x128xf32> to vector<1xf32>
    %reduce_sum3A_538 = vector.shape_cast %reduce_sum3A_537 : vector<1xf32> to vector<1x1x1xf32>
    %reduce_sum3A_539 = vector.extract %reduce_sum3A_538[0, 0, 0] : f32 from vector<1x1x1xf32>
    %broadcast_in_dim3A_540 = vector.broadcast %reduce_sum3A_539 : f32 to vector<1x1xf32>
    %mul3A_541 = arith.mulf %get3A_4, %convert_element_type3A_534 : vector<392x128xf32>
    %reduce_sum3A_542 = vector.shape_cast %mul3A_541 : vector<392x128xf32> to vector<1x392x128xf32>
    %reduce_sum3A_543 = arith.constant dense<0.000000e+00> : vector<1xf32>
    %reduce_sum3A_544 = vector.multi_reduction <add>, %reduce_sum3A_542, %reduce_sum3A_543 [1, 2] : vector<1x392x128xf32> to vector<1xf32>
    %reduce_sum3A_545 = vector.shape_cast %reduce_sum3A_544 : vector<1xf32> to vector<1x1x1xf32>
    %reduce_sum3A_546 = vector.extract %reduce_sum3A_545[0, 0, 0] : f32 from vector<1x1x1xf32>
    %broadcast_in_dim3A_547 = vector.broadcast %reduce_sum3A_546 : f32 to vector<1x1xf32>
    %mul3A_548 = arith.mulf %get3A_1, %convert_element_type3A_534 : vector<392x128xf32>
    %reduce_sum3A_549 = vector.shape_cast %mul3A_548 : vector<392x128xf32> to vector<1x392x128xf32>
    %reduce_sum3A_550 = arith.constant dense<0.000000e+00> : vector<1xf32>
    %reduce_sum3A_551 = vector.multi_reduction <add>, %reduce_sum3A_549, %reduce_sum3A_550 [1, 2] : vector<1x392x128xf32> to vector<1xf32>
    %reduce_sum3A_552 = vector.shape_cast %reduce_sum3A_551 : vector<1xf32> to vector<1x1x1xf32>
    %reduce_sum3A_553 = vector.extract %reduce_sum3A_552[0, 0, 0] : f32 from vector<1x1x1xf32>
    %broadcast_in_dim3A_554 = vector.broadcast %reduce_sum3A_553 : f32 to vector<1x1xf32>
    %max3A_555 = arith.constant 1.000000e+00 : f32
    %max3A_556 = vector.broadcast %max3A_555 : f32 to vector<1x1xf32>
    %max3A_557 = arith.maximumf %broadcast_in_dim3A_540, %max3A_556 : vector<1x1xf32>
    %div3A_558 = arith.divf %broadcast_in_dim3A_547, %max3A_557 : vector<1x1xf32>
    %jit3A_559 = arith.constant 0.00999999977 : f32
    %jit3A_560 = arith.constant 9.900000e-01 : f32
    %max3A_561 = vector.broadcast %jit3A_559 : f32 to vector<1x1xf32>
    %max3A_562 = arith.maximumf %max3A_561, %div3A_558 : vector<1x1xf32>
    %min3A_563 = vector.broadcast %jit3A_560 : f32 to vector<1x1xf32>
    %min3A_564 = arith.minimumf %min3A_563, %max3A_562 : vector<1x1xf32>
    %div3A_565 = arith.divf %broadcast_in_dim3A_554, %max3A_557 : vector<1x1xf32>
    %sub3A_566 = arith.subf %div3A_565, %min3A_564 : vector<1x1xf32>
    %abs3A_567 = math.absf %sub3A_566 : vector<1x1xf32>
    %div3A_568 = arith.constant 5.000000e+04 : f32
    %div3A_569 = vector.broadcast %div3A_568 : f32 to vector<1x1xf32>
    %div3A_570 = arith.divf %broadcast_in_dim3A_540, %div3A_569 : vector<1x1xf32>
    %mul3A_571 = arith.mulf %abs3A_567, %div3A_570 : vector<1x1xf32>
    %gt3A_572 = arith.constant 0.000000e+00 : f32
    %gt3A_573 = vector.broadcast %gt3A_572 : f32 to vector<1x1xf32>
    %gt3A_574 = arith.cmpf ogt, %broadcast_in_dim3A_540, %gt3A_573 : vector<1x1xf32>
    %jit3A_575 = arith.constant 0.000000e+00 : f32
    %broadcast_in_dim3A_576 = vector.broadcast %jit3A_575 : f32 to vector<1x1xf32>
    %select_n3A_577 = arith.select %gt3A_574, %mul3A_571, %broadcast_in_dim3A_576 : vector<1x1xi1>, vector<1x1xf32>
    %add3A_578 = arith.addf %add3A_523, %select_n3A_577 : vector<1x1xf32>
    %slice3A_579 = vector.extract_strided_slice %broadcast_in_dim3A_310 {offsets = [0, 5], sizes = [1, 1], strides = [1, 1]} : vector<1x16xf32> to vector<1x1xf32>
    %squeeze3A_580 = vector.extract %slice3A_579[0, 0] : f32 from vector<1x1xf32>
    %gt3A_581 = vector.broadcast %squeeze3A_580 : f32 to vector<392x128xf32>
    %gt3A_582 = arith.cmpf ogt, %get3A_1, %gt3A_581 : vector<392x128xf32>
    %slice3A_583 = vector.extract_strided_slice %broadcast_in_dim3A_310 {offsets = [0, 6], sizes = [1, 1], strides = [1, 1]} : vector<1x16xf32> to vector<1x1xf32>
    %squeeze3A_584 = vector.extract %slice3A_583[0, 0] : f32 from vector<1x1xf32>
    %le3A_585 = vector.broadcast %squeeze3A_584 : f32 to vector<392x128xf32>
    %le3A_586 = arith.cmpf ole, %get3A_1, %le3A_585 : vector<392x128xf32>
    %and3A_587 = arith.andi %gt3A_582, %le3A_586 : vector<392x128xi1>
    %convert_element_type3A_588 = arith.extui %and3A_587 : vector<392x128xi1> to vector<392x128xi32>
    %convert_element_type3A_589 = arith.sitofp %convert_element_type3A_588 : vector<392x128xi32> to vector<392x128xf32>
    %reduce_sum3A_590 = vector.shape_cast %convert_element_type3A_589 : vector<392x128xf32> to vector<1x392x128xf32>
    %reduce_sum3A_591 = arith.constant dense<0.000000e+00> : vector<1xf32>
    %reduce_sum3A_592 = vector.multi_reduction <add>, %reduce_sum3A_590, %reduce_sum3A_591 [1, 2] : vector<1x392x128xf32> to vector<1xf32>
    %reduce_sum3A_593 = vector.shape_cast %reduce_sum3A_592 : vector<1xf32> to vector<1x1x1xf32>
    %reduce_sum3A_594 = vector.extract %reduce_sum3A_593[0, 0, 0] : f32 from vector<1x1x1xf32>
    %broadcast_in_dim3A_595 = vector.broadcast %reduce_sum3A_594 : f32 to vector<1x1xf32>
    %mul3A_596 = arith.mulf %get3A_4, %convert_element_type3A_589 : vector<392x128xf32>
    %reduce_sum3A_597 = vector.shape_cast %mul3A_596 : vector<392x128xf32> to vector<1x392x128xf32>
    %reduce_sum3A_598 = arith.constant dense<0.000000e+00> : vector<1xf32>
    %reduce_sum3A_599 = vector.multi_reduction <add>, %reduce_sum3A_597, %reduce_sum3A_598 [1, 2] : vector<1x392x128xf32> to vector<1xf32>
    %reduce_sum3A_600 = vector.shape_cast %reduce_sum3A_599 : vector<1xf32> to vector<1x1x1xf32>
    %reduce_sum3A_601 = vector.extract %reduce_sum3A_600[0, 0, 0] : f32 from vector<1x1x1xf32>
    %broadcast_in_dim3A_602 = vector.broadcast %reduce_sum3A_601 : f32 to vector<1x1xf32>
    %mul3A_603 = arith.mulf %get3A_1, %convert_element_type3A_589 : vector<392x128xf32>
    %reduce_sum3A_604 = vector.shape_cast %mul3A_603 : vector<392x128xf32> to vector<1x392x128xf32>
    %reduce_sum3A_605 = arith.constant dense<0.000000e+00> : vector<1xf32>
    %reduce_sum3A_606 = vector.multi_reduction <add>, %reduce_sum3A_604, %reduce_sum3A_605 [1, 2] : vector<1x392x128xf32> to vector<1xf32>
    %reduce_sum3A_607 = vector.shape_cast %reduce_sum3A_606 : vector<1xf32> to vector<1x1x1xf32>
    %reduce_sum3A_608 = vector.extract %reduce_sum3A_607[0, 0, 0] : f32 from vector<1x1x1xf32>
    %broadcast_in_dim3A_609 = vector.broadcast %reduce_sum3A_608 : f32 to vector<1x1xf32>
    %max3A_610 = arith.constant 1.000000e+00 : f32
    %max3A_611 = vector.broadcast %max3A_610 : f32 to vector<1x1xf32>
    %max3A_612 = arith.maximumf %broadcast_in_dim3A_595, %max3A_611 : vector<1x1xf32>
    %div3A_613 = arith.divf %broadcast_in_dim3A_602, %max3A_612 : vector<1x1xf32>
    %jit3A_614 = arith.constant 0.00999999977 : f32
    %jit3A_615 = arith.constant 9.900000e-01 : f32
    %max3A_616 = vector.broadcast %jit3A_614 : f32 to vector<1x1xf32>
    %max3A_617 = arith.maximumf %max3A_616, %div3A_613 : vector<1x1xf32>
    %min3A_618 = vector.broadcast %jit3A_615 : f32 to vector<1x1xf32>
    %min3A_619 = arith.minimumf %min3A_618, %max3A_617 : vector<1x1xf32>
    %div3A_620 = arith.divf %broadcast_in_dim3A_609, %max3A_612 : vector<1x1xf32>
    %sub3A_621 = arith.subf %div3A_620, %min3A_619 : vector<1x1xf32>
    %abs3A_622 = math.absf %sub3A_621 : vector<1x1xf32>
    %div3A_623 = arith.constant 5.000000e+04 : f32
    %div3A_624 = vector.broadcast %div3A_623 : f32 to vector<1x1xf32>
    %div3A_625 = arith.divf %broadcast_in_dim3A_595, %div3A_624 : vector<1x1xf32>
    %mul3A_626 = arith.mulf %abs3A_622, %div3A_625 : vector<1x1xf32>
    %gt3A_627 = arith.constant 0.000000e+00 : f32
    %gt3A_628 = vector.broadcast %gt3A_627 : f32 to vector<1x1xf32>
    %gt3A_629 = arith.cmpf ogt, %broadcast_in_dim3A_595, %gt3A_628 : vector<1x1xf32>
    %jit3A_630 = arith.constant 0.000000e+00 : f32
    %broadcast_in_dim3A_631 = vector.broadcast %jit3A_630 : f32 to vector<1x1xf32>
    %select_n3A_632 = arith.select %gt3A_629, %mul3A_626, %broadcast_in_dim3A_631 : vector<1x1xi1>, vector<1x1xf32>
    %add3A_633 = arith.addf %add3A_578, %select_n3A_632 : vector<1x1xf32>
    %slice3A_634 = vector.extract_strided_slice %broadcast_in_dim3A_310 {offsets = [0, 6], sizes = [1, 1], strides = [1, 1]} : vector<1x16xf32> to vector<1x1xf32>
    %squeeze3A_635 = vector.extract %slice3A_634[0, 0] : f32 from vector<1x1xf32>
    %gt3A_636 = vector.broadcast %squeeze3A_635 : f32 to vector<392x128xf32>
    %gt3A_637 = arith.cmpf ogt, %get3A_1, %gt3A_636 : vector<392x128xf32>
    %slice3A_638 = vector.extract_strided_slice %broadcast_in_dim3A_310 {offsets = [0, 7], sizes = [1, 1], strides = [1, 1]} : vector<1x16xf32> to vector<1x1xf32>
    %squeeze3A_639 = vector.extract %slice3A_638[0, 0] : f32 from vector<1x1xf32>
    %le3A_640 = vector.broadcast %squeeze3A_639 : f32 to vector<392x128xf32>
    %le3A_641 = arith.cmpf ole, %get3A_1, %le3A_640 : vector<392x128xf32>
    %and3A_642 = arith.andi %gt3A_637, %le3A_641 : vector<392x128xi1>
    %convert_element_type3A_643 = arith.extui %and3A_642 : vector<392x128xi1> to vector<392x128xi32>
    %convert_element_type3A_644 = arith.sitofp %convert_element_type3A_643 : vector<392x128xi32> to vector<392x128xf32>
    %reduce_sum3A_645 = vector.shape_cast %convert_element_type3A_644 : vector<392x128xf32> to vector<1x392x128xf32>
    %reduce_sum3A_646 = arith.constant dense<0.000000e+00> : vector<1xf32>
    %reduce_sum3A_647 = vector.multi_reduction <add>, %reduce_sum3A_645, %reduce_sum3A_646 [1, 2] : vector<1x392x128xf32> to vector<1xf32>
    %reduce_sum3A_648 = vector.shape_cast %reduce_sum3A_647 : vector<1xf32> to vector<1x1x1xf32>
    %reduce_sum3A_649 = vector.extract %reduce_sum3A_648[0, 0, 0] : f32 from vector<1x1x1xf32>
    %broadcast_in_dim3A_650 = vector.broadcast %reduce_sum3A_649 : f32 to vector<1x1xf32>
    %mul3A_651 = arith.mulf %get3A_4, %convert_element_type3A_644 : vector<392x128xf32>
    %reduce_sum3A_652 = vector.shape_cast %mul3A_651 : vector<392x128xf32> to vector<1x392x128xf32>
    %reduce_sum3A_653 = arith.constant dense<0.000000e+00> : vector<1xf32>
    %reduce_sum3A_654 = vector.multi_reduction <add>, %reduce_sum3A_652, %reduce_sum3A_653 [1, 2] : vector<1x392x128xf32> to vector<1xf32>
    %reduce_sum3A_655 = vector.shape_cast %reduce_sum3A_654 : vector<1xf32> to vector<1x1x1xf32>
    %reduce_sum3A_656 = vector.extract %reduce_sum3A_655[0, 0, 0] : f32 from vector<1x1x1xf32>
    %broadcast_in_dim3A_657 = vector.broadcast %reduce_sum3A_656 : f32 to vector<1x1xf32>
    %mul3A_658 = arith.mulf %get3A_1, %convert_element_type3A_644 : vector<392x128xf32>
    %reduce_sum3A_659 = vector.shape_cast %mul3A_658 : vector<392x128xf32> to vector<1x392x128xf32>
    %reduce_sum3A_660 = arith.constant dense<0.000000e+00> : vector<1xf32>
    %reduce_sum3A_661 = vector.multi_reduction <add>, %reduce_sum3A_659, %reduce_sum3A_660 [1, 2] : vector<1x392x128xf32> to vector<1xf32>
    %reduce_sum3A_662 = vector.shape_cast %reduce_sum3A_661 : vector<1xf32> to vector<1x1x1xf32>
    %reduce_sum3A_663 = vector.extract %reduce_sum3A_662[0, 0, 0] : f32 from vector<1x1x1xf32>
    %broadcast_in_dim3A_664 = vector.broadcast %reduce_sum3A_663 : f32 to vector<1x1xf32>
    %max3A_665 = arith.constant 1.000000e+00 : f32
    %max3A_666 = vector.broadcast %max3A_665 : f32 to vector<1x1xf32>
    %max3A_667 = arith.maximumf %broadcast_in_dim3A_650, %max3A_666 : vector<1x1xf32>
    %div3A_668 = arith.divf %broadcast_in_dim3A_657, %max3A_667 : vector<1x1xf32>
    %jit3A_669 = arith.constant 0.00999999977 : f32
    %jit3A_670 = arith.constant 9.900000e-01 : f32
    %max3A_671 = vector.broadcast %jit3A_669 : f32 to vector<1x1xf32>
    %max3A_672 = arith.maximumf %max3A_671, %div3A_668 : vector<1x1xf32>
    %min3A_673 = vector.broadcast %jit3A_670 : f32 to vector<1x1xf32>
    %min3A_674 = arith.minimumf %min3A_673, %max3A_672 : vector<1x1xf32>
    %div3A_675 = arith.divf %broadcast_in_dim3A_664, %max3A_667 : vector<1x1xf32>
    %sub3A_676 = arith.subf %div3A_675, %min3A_674 : vector<1x1xf32>
    %abs3A_677 = math.absf %sub3A_676 : vector<1x1xf32>
    %div3A_678 = arith.constant 5.000000e+04 : f32
    %div3A_679 = vector.broadcast %div3A_678 : f32 to vector<1x1xf32>
    %div3A_680 = arith.divf %broadcast_in_dim3A_650, %div3A_679 : vector<1x1xf32>
    %mul3A_681 = arith.mulf %abs3A_677, %div3A_680 : vector<1x1xf32>
    %gt3A_682 = arith.constant 0.000000e+00 : f32
    %gt3A_683 = vector.broadcast %gt3A_682 : f32 to vector<1x1xf32>
    %gt3A_684 = arith.cmpf ogt, %broadcast_in_dim3A_650, %gt3A_683 : vector<1x1xf32>
    %jit3A_685 = arith.constant 0.000000e+00 : f32
    %broadcast_in_dim3A_686 = vector.broadcast %jit3A_685 : f32 to vector<1x1xf32>
    %select_n3A_687 = arith.select %gt3A_684, %mul3A_681, %broadcast_in_dim3A_686 : vector<1x1xi1>, vector<1x1xf32>
    %add3A_688 = arith.addf %add3A_633, %select_n3A_687 : vector<1x1xf32>
    %slice3A_689 = vector.extract_strided_slice %broadcast_in_dim3A_310 {offsets = [0, 7], sizes = [1, 1], strides = [1, 1]} : vector<1x16xf32> to vector<1x1xf32>
    %squeeze3A_690 = vector.extract %slice3A_689[0, 0] : f32 from vector<1x1xf32>
    %gt3A_691 = vector.broadcast %squeeze3A_690 : f32 to vector<392x128xf32>
    %gt3A_692 = arith.cmpf ogt, %get3A_1, %gt3A_691 : vector<392x128xf32>
    %slice3A_693 = vector.extract_strided_slice %broadcast_in_dim3A_310 {offsets = [0, 8], sizes = [1, 1], strides = [1, 1]} : vector<1x16xf32> to vector<1x1xf32>
    %squeeze3A_694 = vector.extract %slice3A_693[0, 0] : f32 from vector<1x1xf32>
    %le3A_695 = vector.broadcast %squeeze3A_694 : f32 to vector<392x128xf32>
    %le3A_696 = arith.cmpf ole, %get3A_1, %le3A_695 : vector<392x128xf32>
    %and3A_697 = arith.andi %gt3A_692, %le3A_696 : vector<392x128xi1>
    %convert_element_type3A_698 = arith.extui %and3A_697 : vector<392x128xi1> to vector<392x128xi32>
    %convert_element_type3A_699 = arith.sitofp %convert_element_type3A_698 : vector<392x128xi32> to vector<392x128xf32>
    %reduce_sum3A_700 = vector.shape_cast %convert_element_type3A_699 : vector<392x128xf32> to vector<1x392x128xf32>
    %reduce_sum3A_701 = arith.constant dense<0.000000e+00> : vector<1xf32>
    %reduce_sum3A_702 = vector.multi_reduction <add>, %reduce_sum3A_700, %reduce_sum3A_701 [1, 2] : vector<1x392x128xf32> to vector<1xf32>
    %reduce_sum3A_703 = vector.shape_cast %reduce_sum3A_702 : vector<1xf32> to vector<1x1x1xf32>
    %reduce_sum3A_704 = vector.extract %reduce_sum3A_703[0, 0, 0] : f32 from vector<1x1x1xf32>
    %broadcast_in_dim3A_705 = vector.broadcast %reduce_sum3A_704 : f32 to vector<1x1xf32>
    %mul3A_706 = arith.mulf %get3A_4, %convert_element_type3A_699 : vector<392x128xf32>
    %reduce_sum3A_707 = vector.shape_cast %mul3A_706 : vector<392x128xf32> to vector<1x392x128xf32>
    %reduce_sum3A_708 = arith.constant dense<0.000000e+00> : vector<1xf32>
    %reduce_sum3A_709 = vector.multi_reduction <add>, %reduce_sum3A_707, %reduce_sum3A_708 [1, 2] : vector<1x392x128xf32> to vector<1xf32>
    %reduce_sum3A_710 = vector.shape_cast %reduce_sum3A_709 : vector<1xf32> to vector<1x1x1xf32>
    %reduce_sum3A_711 = vector.extract %reduce_sum3A_710[0, 0, 0] : f32 from vector<1x1x1xf32>
    %broadcast_in_dim3A_712 = vector.broadcast %reduce_sum3A_711 : f32 to vector<1x1xf32>
    %mul3A_713 = arith.mulf %get3A_1, %convert_element_type3A_699 : vector<392x128xf32>
    %reduce_sum3A_714 = vector.shape_cast %mul3A_713 : vector<392x128xf32> to vector<1x392x128xf32>
    %reduce_sum3A_715 = arith.constant dense<0.000000e+00> : vector<1xf32>
    %reduce_sum3A_716 = vector.multi_reduction <add>, %reduce_sum3A_714, %reduce_sum3A_715 [1, 2] : vector<1x392x128xf32> to vector<1xf32>
    %reduce_sum3A_717 = vector.shape_cast %reduce_sum3A_716 : vector<1xf32> to vector<1x1x1xf32>
    %reduce_sum3A_718 = vector.extract %reduce_sum3A_717[0, 0, 0] : f32 from vector<1x1x1xf32>
    %broadcast_in_dim3A_719 = vector.broadcast %reduce_sum3A_718 : f32 to vector<1x1xf32>
    %max3A_720 = arith.constant 1.000000e+00 : f32
    %max3A_721 = vector.broadcast %max3A_720 : f32 to vector<1x1xf32>
    %max3A_722 = arith.maximumf %broadcast_in_dim3A_705, %max3A_721 : vector<1x1xf32>
    %div3A_723 = arith.divf %broadcast_in_dim3A_712, %max3A_722 : vector<1x1xf32>
    %jit3A_724 = arith.constant 0.00999999977 : f32
    %jit3A_725 = arith.constant 9.900000e-01 : f32
    %max3A_726 = vector.broadcast %jit3A_724 : f32 to vector<1x1xf32>
    %max3A_727 = arith.maximumf %max3A_726, %div3A_723 : vector<1x1xf32>
    %min3A_728 = vector.broadcast %jit3A_725 : f32 to vector<1x1xf32>
    %min3A_729 = arith.minimumf %min3A_728, %max3A_727 : vector<1x1xf32>
    %div3A_730 = arith.divf %broadcast_in_dim3A_719, %max3A_722 : vector<1x1xf32>
    %sub3A_731 = arith.subf %div3A_730, %min3A_729 : vector<1x1xf32>
    %abs3A_732 = math.absf %sub3A_731 : vector<1x1xf32>
    %div3A_733 = arith.constant 5.000000e+04 : f32
    %div3A_734 = vector.broadcast %div3A_733 : f32 to vector<1x1xf32>
    %div3A_735 = arith.divf %broadcast_in_dim3A_705, %div3A_734 : vector<1x1xf32>
    %mul3A_736 = arith.mulf %abs3A_732, %div3A_735 : vector<1x1xf32>
    %gt3A_737 = arith.constant 0.000000e+00 : f32
    %gt3A_738 = vector.broadcast %gt3A_737 : f32 to vector<1x1xf32>
    %gt3A_739 = arith.cmpf ogt, %broadcast_in_dim3A_705, %gt3A_738 : vector<1x1xf32>
    %jit3A_740 = arith.constant 0.000000e+00 : f32
    %broadcast_in_dim3A_741 = vector.broadcast %jit3A_740 : f32 to vector<1x1xf32>
    %select_n3A_742 = arith.select %gt3A_739, %mul3A_736, %broadcast_in_dim3A_741 : vector<1x1xi1>, vector<1x1xf32>
    %add3A_743 = arith.addf %add3A_688, %select_n3A_742 : vector<1x1xf32>
    %slice3A_744 = vector.extract_strided_slice %broadcast_in_dim3A_310 {offsets = [0, 8], sizes = [1, 1], strides = [1, 1]} : vector<1x16xf32> to vector<1x1xf32>
    %squeeze3A_745 = vector.extract %slice3A_744[0, 0] : f32 from vector<1x1xf32>
    %gt3A_746 = vector.broadcast %squeeze3A_745 : f32 to vector<392x128xf32>
    %gt3A_747 = arith.cmpf ogt, %get3A_1, %gt3A_746 : vector<392x128xf32>
    %slice3A_748 = vector.extract_strided_slice %broadcast_in_dim3A_310 {offsets = [0, 9], sizes = [1, 1], strides = [1, 1]} : vector<1x16xf32> to vector<1x1xf32>
    %squeeze3A_749 = vector.extract %slice3A_748[0, 0] : f32 from vector<1x1xf32>
    %le3A_750 = vector.broadcast %squeeze3A_749 : f32 to vector<392x128xf32>
    %le3A_751 = arith.cmpf ole, %get3A_1, %le3A_750 : vector<392x128xf32>
    %and3A_752 = arith.andi %gt3A_747, %le3A_751 : vector<392x128xi1>
    %convert_element_type3A_753 = arith.extui %and3A_752 : vector<392x128xi1> to vector<392x128xi32>
    %convert_element_type3A_754 = arith.sitofp %convert_element_type3A_753 : vector<392x128xi32> to vector<392x128xf32>
    %reduce_sum3A_755 = vector.shape_cast %convert_element_type3A_754 : vector<392x128xf32> to vector<1x392x128xf32>
    %reduce_sum3A_756 = arith.constant dense<0.000000e+00> : vector<1xf32>
    %reduce_sum3A_757 = vector.multi_reduction <add>, %reduce_sum3A_755, %reduce_sum3A_756 [1, 2] : vector<1x392x128xf32> to vector<1xf32>
    %reduce_sum3A_758 = vector.shape_cast %reduce_sum3A_757 : vector<1xf32> to vector<1x1x1xf32>
    %reduce_sum3A_759 = vector.extract %reduce_sum3A_758[0, 0, 0] : f32 from vector<1x1x1xf32>
    %broadcast_in_dim3A_760 = vector.broadcast %reduce_sum3A_759 : f32 to vector<1x1xf32>
    %mul3A_761 = arith.mulf %get3A_4, %convert_element_type3A_754 : vector<392x128xf32>
    %reduce_sum3A_762 = vector.shape_cast %mul3A_761 : vector<392x128xf32> to vector<1x392x128xf32>
    %reduce_sum3A_763 = arith.constant dense<0.000000e+00> : vector<1xf32>
    %reduce_sum3A_764 = vector.multi_reduction <add>, %reduce_sum3A_762, %reduce_sum3A_763 [1, 2] : vector<1x392x128xf32> to vector<1xf32>
    %reduce_sum3A_765 = vector.shape_cast %reduce_sum3A_764 : vector<1xf32> to vector<1x1x1xf32>
    %reduce_sum3A_766 = vector.extract %reduce_sum3A_765[0, 0, 0] : f32 from vector<1x1x1xf32>
    %broadcast_in_dim3A_767 = vector.broadcast %reduce_sum3A_766 : f32 to vector<1x1xf32>
    %mul3A_768 = arith.mulf %get3A_1, %convert_element_type3A_754 : vector<392x128xf32>
    %reduce_sum3A_769 = vector.shape_cast %mul3A_768 : vector<392x128xf32> to vector<1x392x128xf32>
    %reduce_sum3A_770 = arith.constant dense<0.000000e+00> : vector<1xf32>
    %reduce_sum3A_771 = vector.multi_reduction <add>, %reduce_sum3A_769, %reduce_sum3A_770 [1, 2] : vector<1x392x128xf32> to vector<1xf32>
    %reduce_sum3A_772 = vector.shape_cast %reduce_sum3A_771 : vector<1xf32> to vector<1x1x1xf32>
    %reduce_sum3A_773 = vector.extract %reduce_sum3A_772[0, 0, 0] : f32 from vector<1x1x1xf32>
    %broadcast_in_dim3A_774 = vector.broadcast %reduce_sum3A_773 : f32 to vector<1x1xf32>
    %max3A_775 = arith.constant 1.000000e+00 : f32
    %max3A_776 = vector.broadcast %max3A_775 : f32 to vector<1x1xf32>
    %max3A_777 = arith.maximumf %broadcast_in_dim3A_760, %max3A_776 : vector<1x1xf32>
    %div3A_778 = arith.divf %broadcast_in_dim3A_767, %max3A_777 : vector<1x1xf32>
    %jit3A_779 = arith.constant 0.00999999977 : f32
    %jit3A_780 = arith.constant 9.900000e-01 : f32
    %max3A_781 = vector.broadcast %jit3A_779 : f32 to vector<1x1xf32>
    %max3A_782 = arith.maximumf %max3A_781, %div3A_778 : vector<1x1xf32>
    %min3A_783 = vector.broadcast %jit3A_780 : f32 to vector<1x1xf32>
    %min3A_784 = arith.minimumf %min3A_783, %max3A_782 : vector<1x1xf32>
    %div3A_785 = arith.divf %broadcast_in_dim3A_774, %max3A_777 : vector<1x1xf32>
    %sub3A_786 = arith.subf %div3A_785, %min3A_784 : vector<1x1xf32>
    %abs3A_787 = math.absf %sub3A_786 : vector<1x1xf32>
    %div3A_788 = arith.constant 5.000000e+04 : f32
    %div3A_789 = vector.broadcast %div3A_788 : f32 to vector<1x1xf32>
    %div3A_790 = arith.divf %broadcast_in_dim3A_760, %div3A_789 : vector<1x1xf32>
    %mul3A_791 = arith.mulf %abs3A_787, %div3A_790 : vector<1x1xf32>
    %gt3A_792 = arith.constant 0.000000e+00 : f32
    %gt3A_793 = vector.broadcast %gt3A_792 : f32 to vector<1x1xf32>
    %gt3A_794 = arith.cmpf ogt, %broadcast_in_dim3A_760, %gt3A_793 : vector<1x1xf32>
    %jit3A_795 = arith.constant 0.000000e+00 : f32
    %broadcast_in_dim3A_796 = vector.broadcast %jit3A_795 : f32 to vector<1x1xf32>
    %select_n3A_797 = arith.select %gt3A_794, %mul3A_791, %broadcast_in_dim3A_796 : vector<1x1xi1>, vector<1x1xf32>
    %add3A_798 = arith.addf %add3A_743, %select_n3A_797 : vector<1x1xf32>
    %slice3A_799 = vector.extract_strided_slice %broadcast_in_dim3A_310 {offsets = [0, 9], sizes = [1, 1], strides = [1, 1]} : vector<1x16xf32> to vector<1x1xf32>
    %squeeze3A_800 = vector.extract %slice3A_799[0, 0] : f32 from vector<1x1xf32>
    %gt3A_801 = vector.broadcast %squeeze3A_800 : f32 to vector<392x128xf32>
    %gt3A_802 = arith.cmpf ogt, %get3A_1, %gt3A_801 : vector<392x128xf32>
    %slice3A_803 = vector.extract_strided_slice %broadcast_in_dim3A_310 {offsets = [0, 10], sizes = [1, 1], strides = [1, 1]} : vector<1x16xf32> to vector<1x1xf32>
    %squeeze3A_804 = vector.extract %slice3A_803[0, 0] : f32 from vector<1x1xf32>
    %le3A_805 = vector.broadcast %squeeze3A_804 : f32 to vector<392x128xf32>
    %le3A_806 = arith.cmpf ole, %get3A_1, %le3A_805 : vector<392x128xf32>
    %and3A_807 = arith.andi %gt3A_802, %le3A_806 : vector<392x128xi1>
    %convert_element_type3A_808 = arith.extui %and3A_807 : vector<392x128xi1> to vector<392x128xi32>
    %convert_element_type3A_809 = arith.sitofp %convert_element_type3A_808 : vector<392x128xi32> to vector<392x128xf32>
    %reduce_sum3A_810 = vector.shape_cast %convert_element_type3A_809 : vector<392x128xf32> to vector<1x392x128xf32>
    %reduce_sum3A_811 = arith.constant dense<0.000000e+00> : vector<1xf32>
    %reduce_sum3A_812 = vector.multi_reduction <add>, %reduce_sum3A_810, %reduce_sum3A_811 [1, 2] : vector<1x392x128xf32> to vector<1xf32>
    %reduce_sum3A_813 = vector.shape_cast %reduce_sum3A_812 : vector<1xf32> to vector<1x1x1xf32>
    %reduce_sum3A_814 = vector.extract %reduce_sum3A_813[0, 0, 0] : f32 from vector<1x1x1xf32>
    %broadcast_in_dim3A_815 = vector.broadcast %reduce_sum3A_814 : f32 to vector<1x1xf32>
    %mul3A_816 = arith.mulf %get3A_4, %convert_element_type3A_809 : vector<392x128xf32>
    %reduce_sum3A_817 = vector.shape_cast %mul3A_816 : vector<392x128xf32> to vector<1x392x128xf32>
    %reduce_sum3A_818 = arith.constant dense<0.000000e+00> : vector<1xf32>
    %reduce_sum3A_819 = vector.multi_reduction <add>, %reduce_sum3A_817, %reduce_sum3A_818 [1, 2] : vector<1x392x128xf32> to vector<1xf32>
    %reduce_sum3A_820 = vector.shape_cast %reduce_sum3A_819 : vector<1xf32> to vector<1x1x1xf32>
    %reduce_sum3A_821 = vector.extract %reduce_sum3A_820[0, 0, 0] : f32 from vector<1x1x1xf32>
    %broadcast_in_dim3A_822 = vector.broadcast %reduce_sum3A_821 : f32 to vector<1x1xf32>
    %mul3A_823 = arith.mulf %get3A_1, %convert_element_type3A_809 : vector<392x128xf32>
    %reduce_sum3A_824 = vector.shape_cast %mul3A_823 : vector<392x128xf32> to vector<1x392x128xf32>
    %reduce_sum3A_825 = arith.constant dense<0.000000e+00> : vector<1xf32>
    %reduce_sum3A_826 = vector.multi_reduction <add>, %reduce_sum3A_824, %reduce_sum3A_825 [1, 2] : vector<1x392x128xf32> to vector<1xf32>
    %reduce_sum3A_827 = vector.shape_cast %reduce_sum3A_826 : vector<1xf32> to vector<1x1x1xf32>
    %reduce_sum3A_828 = vector.extract %reduce_sum3A_827[0, 0, 0] : f32 from vector<1x1x1xf32>
    %broadcast_in_dim3A_829 = vector.broadcast %reduce_sum3A_828 : f32 to vector<1x1xf32>
    %max3A_830 = arith.constant 1.000000e+00 : f32
    %max3A_831 = vector.broadcast %max3A_830 : f32 to vector<1x1xf32>
    %max3A_832 = arith.maximumf %broadcast_in_dim3A_815, %max3A_831 : vector<1x1xf32>
    %div3A_833 = arith.divf %broadcast_in_dim3A_822, %max3A_832 : vector<1x1xf32>
    %jit3A_834 = arith.constant 0.00999999977 : f32
    %jit3A_835 = arith.constant 9.900000e-01 : f32
    %max3A_836 = vector.broadcast %jit3A_834 : f32 to vector<1x1xf32>
    %max3A_837 = arith.maximumf %max3A_836, %div3A_833 : vector<1x1xf32>
    %min3A_838 = vector.broadcast %jit3A_835 : f32 to vector<1x1xf32>
    %min3A_839 = arith.minimumf %min3A_838, %max3A_837 : vector<1x1xf32>
    %div3A_840 = arith.divf %broadcast_in_dim3A_829, %max3A_832 : vector<1x1xf32>
    %sub3A_841 = arith.subf %div3A_840, %min3A_839 : vector<1x1xf32>
    %abs3A_842 = math.absf %sub3A_841 : vector<1x1xf32>
    %div3A_843 = arith.constant 5.000000e+04 : f32
    %div3A_844 = vector.broadcast %div3A_843 : f32 to vector<1x1xf32>
    %div3A_845 = arith.divf %broadcast_in_dim3A_815, %div3A_844 : vector<1x1xf32>
    %mul3A_846 = arith.mulf %abs3A_842, %div3A_845 : vector<1x1xf32>
    %gt3A_847 = arith.constant 0.000000e+00 : f32
    %gt3A_848 = vector.broadcast %gt3A_847 : f32 to vector<1x1xf32>
    %gt3A_849 = arith.cmpf ogt, %broadcast_in_dim3A_815, %gt3A_848 : vector<1x1xf32>
    %jit3A_850 = arith.constant 0.000000e+00 : f32
    %broadcast_in_dim3A_851 = vector.broadcast %jit3A_850 : f32 to vector<1x1xf32>
    %select_n3A_852 = arith.select %gt3A_849, %mul3A_846, %broadcast_in_dim3A_851 : vector<1x1xi1>, vector<1x1xf32>
    %add3A_853 = arith.addf %add3A_798, %select_n3A_852 : vector<1x1xf32>
    %slice3A_854 = vector.extract_strided_slice %broadcast_in_dim3A_310 {offsets = [0, 10], sizes = [1, 1], strides = [1, 1]} : vector<1x16xf32> to vector<1x1xf32>
    %squeeze3A_855 = vector.extract %slice3A_854[0, 0] : f32 from vector<1x1xf32>
    %gt3A_856 = vector.broadcast %squeeze3A_855 : f32 to vector<392x128xf32>
    %gt3A_857 = arith.cmpf ogt, %get3A_1, %gt3A_856 : vector<392x128xf32>
    %slice3A_858 = vector.extract_strided_slice %broadcast_in_dim3A_310 {offsets = [0, 11], sizes = [1, 1], strides = [1, 1]} : vector<1x16xf32> to vector<1x1xf32>
    %squeeze3A_859 = vector.extract %slice3A_858[0, 0] : f32 from vector<1x1xf32>
    %le3A_860 = vector.broadcast %squeeze3A_859 : f32 to vector<392x128xf32>
    %le3A_861 = arith.cmpf ole, %get3A_1, %le3A_860 : vector<392x128xf32>
    %and3A_862 = arith.andi %gt3A_857, %le3A_861 : vector<392x128xi1>
    %convert_element_type3A_863 = arith.extui %and3A_862 : vector<392x128xi1> to vector<392x128xi32>
    %convert_element_type3A_864 = arith.sitofp %convert_element_type3A_863 : vector<392x128xi32> to vector<392x128xf32>
    %reduce_sum3A_865 = vector.shape_cast %convert_element_type3A_864 : vector<392x128xf32> to vector<1x392x128xf32>
    %reduce_sum3A_866 = arith.constant dense<0.000000e+00> : vector<1xf32>
    %reduce_sum3A_867 = vector.multi_reduction <add>, %reduce_sum3A_865, %reduce_sum3A_866 [1, 2] : vector<1x392x128xf32> to vector<1xf32>
    %reduce_sum3A_868 = vector.shape_cast %reduce_sum3A_867 : vector<1xf32> to vector<1x1x1xf32>
    %reduce_sum3A_869 = vector.extract %reduce_sum3A_868[0, 0, 0] : f32 from vector<1x1x1xf32>
    %broadcast_in_dim3A_870 = vector.broadcast %reduce_sum3A_869 : f32 to vector<1x1xf32>
    %mul3A_871 = arith.mulf %get3A_4, %convert_element_type3A_864 : vector<392x128xf32>
    %reduce_sum3A_872 = vector.shape_cast %mul3A_871 : vector<392x128xf32> to vector<1x392x128xf32>
    %reduce_sum3A_873 = arith.constant dense<0.000000e+00> : vector<1xf32>
    %reduce_sum3A_874 = vector.multi_reduction <add>, %reduce_sum3A_872, %reduce_sum3A_873 [1, 2] : vector<1x392x128xf32> to vector<1xf32>
    %reduce_sum3A_875 = vector.shape_cast %reduce_sum3A_874 : vector<1xf32> to vector<1x1x1xf32>
    %reduce_sum3A_876 = vector.extract %reduce_sum3A_875[0, 0, 0] : f32 from vector<1x1x1xf32>
    %broadcast_in_dim3A_877 = vector.broadcast %reduce_sum3A_876 : f32 to vector<1x1xf32>
    %mul3A_878 = arith.mulf %get3A_1, %convert_element_type3A_864 : vector<392x128xf32>
    %reduce_sum3A_879 = vector.shape_cast %mul3A_878 : vector<392x128xf32> to vector<1x392x128xf32>
    %reduce_sum3A_880 = arith.constant dense<0.000000e+00> : vector<1xf32>
    %reduce_sum3A_881 = vector.multi_reduction <add>, %reduce_sum3A_879, %reduce_sum3A_880 [1, 2] : vector<1x392x128xf32> to vector<1xf32>
    %reduce_sum3A_882 = vector.shape_cast %reduce_sum3A_881 : vector<1xf32> to vector<1x1x1xf32>
    %reduce_sum3A_883 = vector.extract %reduce_sum3A_882[0, 0, 0] : f32 from vector<1x1x1xf32>
    %broadcast_in_dim3A_884 = vector.broadcast %reduce_sum3A_883 : f32 to vector<1x1xf32>
    %max3A_885 = arith.constant 1.000000e+00 : f32
    %max3A_886 = vector.broadcast %max3A_885 : f32 to vector<1x1xf32>
    %max3A_887 = arith.maximumf %broadcast_in_dim3A_870, %max3A_886 : vector<1x1xf32>
    %div3A_888 = arith.divf %broadcast_in_dim3A_877, %max3A_887 : vector<1x1xf32>
    %jit3A_889 = arith.constant 0.00999999977 : f32
    %jit3A_890 = arith.constant 9.900000e-01 : f32
    %max3A_891 = vector.broadcast %jit3A_889 : f32 to vector<1x1xf32>
    %max3A_892 = arith.maximumf %max3A_891, %div3A_888 : vector<1x1xf32>
    %min3A_893 = vector.broadcast %jit3A_890 : f32 to vector<1x1xf32>
    %min3A_894 = arith.minimumf %min3A_893, %max3A_892 : vector<1x1xf32>
    %div3A_895 = arith.divf %broadcast_in_dim3A_884, %max3A_887 : vector<1x1xf32>
    %sub3A_896 = arith.subf %div3A_895, %min3A_894 : vector<1x1xf32>
    %abs3A_897 = math.absf %sub3A_896 : vector<1x1xf32>
    %div3A_898 = arith.constant 5.000000e+04 : f32
    %div3A_899 = vector.broadcast %div3A_898 : f32 to vector<1x1xf32>
    %div3A_900 = arith.divf %broadcast_in_dim3A_870, %div3A_899 : vector<1x1xf32>
    %mul3A_901 = arith.mulf %abs3A_897, %div3A_900 : vector<1x1xf32>
    %gt3A_902 = arith.constant 0.000000e+00 : f32
    %gt3A_903 = vector.broadcast %gt3A_902 : f32 to vector<1x1xf32>
    %gt3A_904 = arith.cmpf ogt, %broadcast_in_dim3A_870, %gt3A_903 : vector<1x1xf32>
    %jit3A_905 = arith.constant 0.000000e+00 : f32
    %broadcast_in_dim3A_906 = vector.broadcast %jit3A_905 : f32 to vector<1x1xf32>
    %select_n3A_907 = arith.select %gt3A_904, %mul3A_901, %broadcast_in_dim3A_906 : vector<1x1xi1>, vector<1x1xf32>
    %add3A_908 = arith.addf %add3A_853, %select_n3A_907 : vector<1x1xf32>
    %slice3A_909 = vector.extract_strided_slice %broadcast_in_dim3A_310 {offsets = [0, 11], sizes = [1, 1], strides = [1, 1]} : vector<1x16xf32> to vector<1x1xf32>
    %squeeze3A_910 = vector.extract %slice3A_909[0, 0] : f32 from vector<1x1xf32>
    %gt3A_911 = vector.broadcast %squeeze3A_910 : f32 to vector<392x128xf32>
    %gt3A_912 = arith.cmpf ogt, %get3A_1, %gt3A_911 : vector<392x128xf32>
    %slice3A_913 = vector.extract_strided_slice %broadcast_in_dim3A_310 {offsets = [0, 12], sizes = [1, 1], strides = [1, 1]} : vector<1x16xf32> to vector<1x1xf32>
    %squeeze3A_914 = vector.extract %slice3A_913[0, 0] : f32 from vector<1x1xf32>
    %le3A_915 = vector.broadcast %squeeze3A_914 : f32 to vector<392x128xf32>
    %le3A_916 = arith.cmpf ole, %get3A_1, %le3A_915 : vector<392x128xf32>
    %and3A_917 = arith.andi %gt3A_912, %le3A_916 : vector<392x128xi1>
    %convert_element_type3A_918 = arith.extui %and3A_917 : vector<392x128xi1> to vector<392x128xi32>
    %convert_element_type3A_919 = arith.sitofp %convert_element_type3A_918 : vector<392x128xi32> to vector<392x128xf32>
    %reduce_sum3A_920 = vector.shape_cast %convert_element_type3A_919 : vector<392x128xf32> to vector<1x392x128xf32>
    %reduce_sum3A_921 = arith.constant dense<0.000000e+00> : vector<1xf32>
    %reduce_sum3A_922 = vector.multi_reduction <add>, %reduce_sum3A_920, %reduce_sum3A_921 [1, 2] : vector<1x392x128xf32> to vector<1xf32>
    %reduce_sum3A_923 = vector.shape_cast %reduce_sum3A_922 : vector<1xf32> to vector<1x1x1xf32>
    %reduce_sum3A_924 = vector.extract %reduce_sum3A_923[0, 0, 0] : f32 from vector<1x1x1xf32>
    %broadcast_in_dim3A_925 = vector.broadcast %reduce_sum3A_924 : f32 to vector<1x1xf32>
    %mul3A_926 = arith.mulf %get3A_4, %convert_element_type3A_919 : vector<392x128xf32>
    %reduce_sum3A_927 = vector.shape_cast %mul3A_926 : vector<392x128xf32> to vector<1x392x128xf32>
    %reduce_sum3A_928 = arith.constant dense<0.000000e+00> : vector<1xf32>
    %reduce_sum3A_929 = vector.multi_reduction <add>, %reduce_sum3A_927, %reduce_sum3A_928 [1, 2] : vector<1x392x128xf32> to vector<1xf32>
    %reduce_sum3A_930 = vector.shape_cast %reduce_sum3A_929 : vector<1xf32> to vector<1x1x1xf32>
    %reduce_sum3A_931 = vector.extract %reduce_sum3A_930[0, 0, 0] : f32 from vector<1x1x1xf32>
    %broadcast_in_dim3A_932 = vector.broadcast %reduce_sum3A_931 : f32 to vector<1x1xf32>
    %mul3A_933 = arith.mulf %get3A_1, %convert_element_type3A_919 : vector<392x128xf32>
    %reduce_sum3A_934 = vector.shape_cast %mul3A_933 : vector<392x128xf32> to vector<1x392x128xf32>
    %reduce_sum3A_935 = arith.constant dense<0.000000e+00> : vector<1xf32>
    %reduce_sum3A_936 = vector.multi_reduction <add>, %reduce_sum3A_934, %reduce_sum3A_935 [1, 2] : vector<1x392x128xf32> to vector<1xf32>
    %reduce_sum3A_937 = vector.shape_cast %reduce_sum3A_936 : vector<1xf32> to vector<1x1x1xf32>
    %reduce_sum3A_938 = vector.extract %reduce_sum3A_937[0, 0, 0] : f32 from vector<1x1x1xf32>
    %broadcast_in_dim3A_939 = vector.broadcast %reduce_sum3A_938 : f32 to vector<1x1xf32>
    %max3A_940 = arith.constant 1.000000e+00 : f32
    %max3A_941 = vector.broadcast %max3A_940 : f32 to vector<1x1xf32>
    %max3A_942 = arith.maximumf %broadcast_in_dim3A_925, %max3A_941 : vector<1x1xf32>
    %div3A_943 = arith.divf %broadcast_in_dim3A_932, %max3A_942 : vector<1x1xf32>
    %jit3A_944 = arith.constant 0.00999999977 : f32
    %jit3A_945 = arith.constant 9.900000e-01 : f32
    %max3A_946 = vector.broadcast %jit3A_944 : f32 to vector<1x1xf32>
    %max3A_947 = arith.maximumf %max3A_946, %div3A_943 : vector<1x1xf32>
    %min3A_948 = vector.broadcast %jit3A_945 : f32 to vector<1x1xf32>
    %min3A_949 = arith.minimumf %min3A_948, %max3A_947 : vector<1x1xf32>
    %div3A_950 = arith.divf %broadcast_in_dim3A_939, %max3A_942 : vector<1x1xf32>
    %sub3A_951 = arith.subf %div3A_950, %min3A_949 : vector<1x1xf32>
    %abs3A_952 = math.absf %sub3A_951 : vector<1x1xf32>
    %div3A_953 = arith.constant 5.000000e+04 : f32
    %div3A_954 = vector.broadcast %div3A_953 : f32 to vector<1x1xf32>
    %div3A_955 = arith.divf %broadcast_in_dim3A_925, %div3A_954 : vector<1x1xf32>
    %mul3A_956 = arith.mulf %abs3A_952, %div3A_955 : vector<1x1xf32>
    %gt3A_957 = arith.constant 0.000000e+00 : f32
    %gt3A_958 = vector.broadcast %gt3A_957 : f32 to vector<1x1xf32>
    %gt3A_959 = arith.cmpf ogt, %broadcast_in_dim3A_925, %gt3A_958 : vector<1x1xf32>
    %jit3A_960 = arith.constant 0.000000e+00 : f32
    %broadcast_in_dim3A_961 = vector.broadcast %jit3A_960 : f32 to vector<1x1xf32>
    %select_n3A_962 = arith.select %gt3A_959, %mul3A_956, %broadcast_in_dim3A_961 : vector<1x1xi1>, vector<1x1xf32>
    %add3A_963 = arith.addf %add3A_908, %select_n3A_962 : vector<1x1xf32>
    %slice3A_964 = vector.extract_strided_slice %broadcast_in_dim3A_310 {offsets = [0, 12], sizes = [1, 1], strides = [1, 1]} : vector<1x16xf32> to vector<1x1xf32>
    %squeeze3A_965 = vector.extract %slice3A_964[0, 0] : f32 from vector<1x1xf32>
    %gt3A_966 = vector.broadcast %squeeze3A_965 : f32 to vector<392x128xf32>
    %gt3A_967 = arith.cmpf ogt, %get3A_1, %gt3A_966 : vector<392x128xf32>
    %slice3A_968 = vector.extract_strided_slice %broadcast_in_dim3A_310 {offsets = [0, 13], sizes = [1, 1], strides = [1, 1]} : vector<1x16xf32> to vector<1x1xf32>
    %squeeze3A_969 = vector.extract %slice3A_968[0, 0] : f32 from vector<1x1xf32>
    %le3A_970 = vector.broadcast %squeeze3A_969 : f32 to vector<392x128xf32>
    %le3A_971 = arith.cmpf ole, %get3A_1, %le3A_970 : vector<392x128xf32>
    %and3A_972 = arith.andi %gt3A_967, %le3A_971 : vector<392x128xi1>
    %convert_element_type3A_973 = arith.extui %and3A_972 : vector<392x128xi1> to vector<392x128xi32>
    %convert_element_type3A_974 = arith.sitofp %convert_element_type3A_973 : vector<392x128xi32> to vector<392x128xf32>
    %reduce_sum3A_975 = vector.shape_cast %convert_element_type3A_974 : vector<392x128xf32> to vector<1x392x128xf32>
    %reduce_sum3A_976 = arith.constant dense<0.000000e+00> : vector<1xf32>
    %reduce_sum3A_977 = vector.multi_reduction <add>, %reduce_sum3A_975, %reduce_sum3A_976 [1, 2] : vector<1x392x128xf32> to vector<1xf32>
    %reduce_sum3A_978 = vector.shape_cast %reduce_sum3A_977 : vector<1xf32> to vector<1x1x1xf32>
    %reduce_sum3A_979 = vector.extract %reduce_sum3A_978[0, 0, 0] : f32 from vector<1x1x1xf32>
    %broadcast_in_dim3A_980 = vector.broadcast %reduce_sum3A_979 : f32 to vector<1x1xf32>
    %mul3A_981 = arith.mulf %get3A_4, %convert_element_type3A_974 : vector<392x128xf32>
    %reduce_sum3A_982 = vector.shape_cast %mul3A_981 : vector<392x128xf32> to vector<1x392x128xf32>
    %reduce_sum3A_983 = arith.constant dense<0.000000e+00> : vector<1xf32>
    %reduce_sum3A_984 = vector.multi_reduction <add>, %reduce_sum3A_982, %reduce_sum3A_983 [1, 2] : vector<1x392x128xf32> to vector<1xf32>
    %reduce_sum3A_985 = vector.shape_cast %reduce_sum3A_984 : vector<1xf32> to vector<1x1x1xf32>
    %reduce_sum3A_986 = vector.extract %reduce_sum3A_985[0, 0, 0] : f32 from vector<1x1x1xf32>
    %broadcast_in_dim3A_987 = vector.broadcast %reduce_sum3A_986 : f32 to vector<1x1xf32>
    %mul3A_988 = arith.mulf %get3A_1, %convert_element_type3A_974 : vector<392x128xf32>
    %reduce_sum3A_989 = vector.shape_cast %mul3A_988 : vector<392x128xf32> to vector<1x392x128xf32>
    %reduce_sum3A_990 = arith.constant dense<0.000000e+00> : vector<1xf32>
    %reduce_sum3A_991 = vector.multi_reduction <add>, %reduce_sum3A_989, %reduce_sum3A_990 [1, 2] : vector<1x392x128xf32> to vector<1xf32>
    %reduce_sum3A_992 = vector.shape_cast %reduce_sum3A_991 : vector<1xf32> to vector<1x1x1xf32>
    %reduce_sum3A_993 = vector.extract %reduce_sum3A_992[0, 0, 0] : f32 from vector<1x1x1xf32>
    %broadcast_in_dim3A_994 = vector.broadcast %reduce_sum3A_993 : f32 to vector<1x1xf32>
    %max3A_995 = arith.constant 1.000000e+00 : f32
    %max3A_996 = vector.broadcast %max3A_995 : f32 to vector<1x1xf32>
    %max3A_997 = arith.maximumf %broadcast_in_dim3A_980, %max3A_996 : vector<1x1xf32>
    %div3A_998 = arith.divf %broadcast_in_dim3A_987, %max3A_997 : vector<1x1xf32>
    %jit3A_999 = arith.constant 0.00999999977 : f32
    %jit3A_1000 = arith.constant 9.900000e-01 : f32
    %max3A_1001 = vector.broadcast %jit3A_999 : f32 to vector<1x1xf32>
    %max3A_1002 = arith.maximumf %max3A_1001, %div3A_998 : vector<1x1xf32>
    %min3A_1003 = vector.broadcast %jit3A_1000 : f32 to vector<1x1xf32>
    %min3A_1004 = arith.minimumf %min3A_1003, %max3A_1002 : vector<1x1xf32>
    %div3A_1005 = arith.divf %broadcast_in_dim3A_994, %max3A_997 : vector<1x1xf32>
    %sub3A_1006 = arith.subf %div3A_1005, %min3A_1004 : vector<1x1xf32>
    %abs3A_1007 = math.absf %sub3A_1006 : vector<1x1xf32>
    %div3A_1008 = arith.constant 5.000000e+04 : f32
    %div3A_1009 = vector.broadcast %div3A_1008 : f32 to vector<1x1xf32>
    %div3A_1010 = arith.divf %broadcast_in_dim3A_980, %div3A_1009 : vector<1x1xf32>
    %mul3A_1011 = arith.mulf %abs3A_1007, %div3A_1010 : vector<1x1xf32>
    %gt3A_1012 = arith.constant 0.000000e+00 : f32
    %gt3A_1013 = vector.broadcast %gt3A_1012 : f32 to vector<1x1xf32>
    %gt3A_1014 = arith.cmpf ogt, %broadcast_in_dim3A_980, %gt3A_1013 : vector<1x1xf32>
    %jit3A_1015 = arith.constant 0.000000e+00 : f32
    %broadcast_in_dim3A_1016 = vector.broadcast %jit3A_1015 : f32 to vector<1x1xf32>
    %select_n3A_1017 = arith.select %gt3A_1014, %mul3A_1011, %broadcast_in_dim3A_1016 : vector<1x1xi1>, vector<1x1xf32>
    %add3A_1018 = arith.addf %add3A_963, %select_n3A_1017 : vector<1x1xf32>
    %slice3A_1019 = vector.extract_strided_slice %broadcast_in_dim3A_310 {offsets = [0, 13], sizes = [1, 1], strides = [1, 1]} : vector<1x16xf32> to vector<1x1xf32>
    %squeeze3A_1020 = vector.extract %slice3A_1019[0, 0] : f32 from vector<1x1xf32>
    %gt3A_1021 = vector.broadcast %squeeze3A_1020 : f32 to vector<392x128xf32>
    %gt3A_1022 = arith.cmpf ogt, %get3A_1, %gt3A_1021 : vector<392x128xf32>
    %slice3A_1023 = vector.extract_strided_slice %broadcast_in_dim3A_310 {offsets = [0, 14], sizes = [1, 1], strides = [1, 1]} : vector<1x16xf32> to vector<1x1xf32>
    %squeeze3A_1024 = vector.extract %slice3A_1023[0, 0] : f32 from vector<1x1xf32>
    %le3A_1025 = vector.broadcast %squeeze3A_1024 : f32 to vector<392x128xf32>
    %le3A_1026 = arith.cmpf ole, %get3A_1, %le3A_1025 : vector<392x128xf32>
    %and3A_1027 = arith.andi %gt3A_1022, %le3A_1026 : vector<392x128xi1>
    %convert_element_type3A_1028 = arith.extui %and3A_1027 : vector<392x128xi1> to vector<392x128xi32>
    %convert_element_type3A_1029 = arith.sitofp %convert_element_type3A_1028 : vector<392x128xi32> to vector<392x128xf32>
    %reduce_sum3A_1030 = vector.shape_cast %convert_element_type3A_1029 : vector<392x128xf32> to vector<1x392x128xf32>
    %reduce_sum3A_1031 = arith.constant dense<0.000000e+00> : vector<1xf32>
    %reduce_sum3A_1032 = vector.multi_reduction <add>, %reduce_sum3A_1030, %reduce_sum3A_1031 [1, 2] : vector<1x392x128xf32> to vector<1xf32>
    %reduce_sum3A_1033 = vector.shape_cast %reduce_sum3A_1032 : vector<1xf32> to vector<1x1x1xf32>
    %reduce_sum3A_1034 = vector.extract %reduce_sum3A_1033[0, 0, 0] : f32 from vector<1x1x1xf32>
    %broadcast_in_dim3A_1035 = vector.broadcast %reduce_sum3A_1034 : f32 to vector<1x1xf32>
    %mul3A_1036 = arith.mulf %get3A_4, %convert_element_type3A_1029 : vector<392x128xf32>
    %reduce_sum3A_1037 = vector.shape_cast %mul3A_1036 : vector<392x128xf32> to vector<1x392x128xf32>
    %reduce_sum3A_1038 = arith.constant dense<0.000000e+00> : vector<1xf32>
    %reduce_sum3A_1039 = vector.multi_reduction <add>, %reduce_sum3A_1037, %reduce_sum3A_1038 [1, 2] : vector<1x392x128xf32> to vector<1xf32>
    %reduce_sum3A_1040 = vector.shape_cast %reduce_sum3A_1039 : vector<1xf32> to vector<1x1x1xf32>
    %reduce_sum3A_1041 = vector.extract %reduce_sum3A_1040[0, 0, 0] : f32 from vector<1x1x1xf32>
    %broadcast_in_dim3A_1042 = vector.broadcast %reduce_sum3A_1041 : f32 to vector<1x1xf32>
    %mul3A_1043 = arith.mulf %get3A_1, %convert_element_type3A_1029 : vector<392x128xf32>
    %reduce_sum3A_1044 = vector.shape_cast %mul3A_1043 : vector<392x128xf32> to vector<1x392x128xf32>
    %reduce_sum3A_1045 = arith.constant dense<0.000000e+00> : vector<1xf32>
    %reduce_sum3A_1046 = vector.multi_reduction <add>, %reduce_sum3A_1044, %reduce_sum3A_1045 [1, 2] : vector<1x392x128xf32> to vector<1xf32>
    %reduce_sum3A_1047 = vector.shape_cast %reduce_sum3A_1046 : vector<1xf32> to vector<1x1x1xf32>
    %reduce_sum3A_1048 = vector.extract %reduce_sum3A_1047[0, 0, 0] : f32 from vector<1x1x1xf32>
    %broadcast_in_dim3A_1049 = vector.broadcast %reduce_sum3A_1048 : f32 to vector<1x1xf32>
    %max3A_1050 = arith.constant 1.000000e+00 : f32
    %max3A_1051 = vector.broadcast %max3A_1050 : f32 to vector<1x1xf32>
    %max3A_1052 = arith.maximumf %broadcast_in_dim3A_1035, %max3A_1051 : vector<1x1xf32>
    %div3A_1053 = arith.divf %broadcast_in_dim3A_1042, %max3A_1052 : vector<1x1xf32>
    %jit3A_1054 = arith.constant 0.00999999977 : f32
    %jit3A_1055 = arith.constant 9.900000e-01 : f32
    %max3A_1056 = vector.broadcast %jit3A_1054 : f32 to vector<1x1xf32>
    %max3A_1057 = arith.maximumf %max3A_1056, %div3A_1053 : vector<1x1xf32>
    %min3A_1058 = vector.broadcast %jit3A_1055 : f32 to vector<1x1xf32>
    %min3A_1059 = arith.minimumf %min3A_1058, %max3A_1057 : vector<1x1xf32>
    %div3A_1060 = arith.divf %broadcast_in_dim3A_1049, %max3A_1052 : vector<1x1xf32>
    %sub3A_1061 = arith.subf %div3A_1060, %min3A_1059 : vector<1x1xf32>
    %abs3A_1062 = math.absf %sub3A_1061 : vector<1x1xf32>
    %div3A_1063 = arith.constant 5.000000e+04 : f32
    %div3A_1064 = vector.broadcast %div3A_1063 : f32 to vector<1x1xf32>
    %div3A_1065 = arith.divf %broadcast_in_dim3A_1035, %div3A_1064 : vector<1x1xf32>
    %mul3A_1066 = arith.mulf %abs3A_1062, %div3A_1065 : vector<1x1xf32>
    %gt3A_1067 = arith.constant 0.000000e+00 : f32
    %gt3A_1068 = vector.broadcast %gt3A_1067 : f32 to vector<1x1xf32>
    %gt3A_1069 = arith.cmpf ogt, %broadcast_in_dim3A_1035, %gt3A_1068 : vector<1x1xf32>
    %jit3A_1070 = arith.constant 0.000000e+00 : f32
    %broadcast_in_dim3A_1071 = vector.broadcast %jit3A_1070 : f32 to vector<1x1xf32>
    %select_n3A_1072 = arith.select %gt3A_1069, %mul3A_1066, %broadcast_in_dim3A_1071 : vector<1x1xi1>, vector<1x1xf32>
    %add3A_1073 = arith.addf %add3A_1018, %select_n3A_1072 : vector<1x1xf32>
    %slice3A_1074 = vector.extract_strided_slice %broadcast_in_dim3A_310 {offsets = [0, 14], sizes = [1, 1], strides = [1, 1]} : vector<1x16xf32> to vector<1x1xf32>
    %squeeze3A_1075 = vector.extract %slice3A_1074[0, 0] : f32 from vector<1x1xf32>
    %gt3A_1076 = vector.broadcast %squeeze3A_1075 : f32 to vector<392x128xf32>
    %gt3A_1077 = arith.cmpf ogt, %get3A_1, %gt3A_1076 : vector<392x128xf32>
    %slice3A_1078 = vector.extract_strided_slice %broadcast_in_dim3A_310 {offsets = [0, 15], sizes = [1, 1], strides = [1, 1]} : vector<1x16xf32> to vector<1x1xf32>
    %squeeze3A_1079 = vector.extract %slice3A_1078[0, 0] : f32 from vector<1x1xf32>
    %le3A_1080 = vector.broadcast %squeeze3A_1079 : f32 to vector<392x128xf32>
    %le3A_1081 = arith.cmpf ole, %get3A_1, %le3A_1080 : vector<392x128xf32>
    %and3A_1082 = arith.andi %gt3A_1077, %le3A_1081 : vector<392x128xi1>
    %convert_element_type3A_1083 = arith.extui %and3A_1082 : vector<392x128xi1> to vector<392x128xi32>
    %convert_element_type3A_1084 = arith.sitofp %convert_element_type3A_1083 : vector<392x128xi32> to vector<392x128xf32>
    %reduce_sum3A_1085 = vector.shape_cast %convert_element_type3A_1084 : vector<392x128xf32> to vector<1x392x128xf32>
    %reduce_sum3A_1086 = arith.constant dense<0.000000e+00> : vector<1xf32>
    %reduce_sum3A_1087 = vector.multi_reduction <add>, %reduce_sum3A_1085, %reduce_sum3A_1086 [1, 2] : vector<1x392x128xf32> to vector<1xf32>
    %reduce_sum3A_1088 = vector.shape_cast %reduce_sum3A_1087 : vector<1xf32> to vector<1x1x1xf32>
    %reduce_sum3A_1089 = vector.extract %reduce_sum3A_1088[0, 0, 0] : f32 from vector<1x1x1xf32>
    %broadcast_in_dim3A_1090 = vector.broadcast %reduce_sum3A_1089 : f32 to vector<1x1xf32>
    %mul3A_1091 = arith.mulf %get3A_4, %convert_element_type3A_1084 : vector<392x128xf32>
    %reduce_sum3A_1092 = vector.shape_cast %mul3A_1091 : vector<392x128xf32> to vector<1x392x128xf32>
    %reduce_sum3A_1093 = arith.constant dense<0.000000e+00> : vector<1xf32>
    %reduce_sum3A_1094 = vector.multi_reduction <add>, %reduce_sum3A_1092, %reduce_sum3A_1093 [1, 2] : vector<1x392x128xf32> to vector<1xf32>
    %reduce_sum3A_1095 = vector.shape_cast %reduce_sum3A_1094 : vector<1xf32> to vector<1x1x1xf32>
    %reduce_sum3A_1096 = vector.extract %reduce_sum3A_1095[0, 0, 0] : f32 from vector<1x1x1xf32>
    %broadcast_in_dim3A_1097 = vector.broadcast %reduce_sum3A_1096 : f32 to vector<1x1xf32>
    %mul3A_1098 = arith.mulf %get3A_1, %convert_element_type3A_1084 : vector<392x128xf32>
    %reduce_sum3A_1099 = vector.shape_cast %mul3A_1098 : vector<392x128xf32> to vector<1x392x128xf32>
    %reduce_sum3A_1100 = arith.constant dense<0.000000e+00> : vector<1xf32>
    %reduce_sum3A_1101 = vector.multi_reduction <add>, %reduce_sum3A_1099, %reduce_sum3A_1100 [1, 2] : vector<1x392x128xf32> to vector<1xf32>
    %reduce_sum3A_1102 = vector.shape_cast %reduce_sum3A_1101 : vector<1xf32> to vector<1x1x1xf32>
    %reduce_sum3A_1103 = vector.extract %reduce_sum3A_1102[0, 0, 0] : f32 from vector<1x1x1xf32>
    %broadcast_in_dim3A_1104 = vector.broadcast %reduce_sum3A_1103 : f32 to vector<1x1xf32>
    %max3A_1105 = arith.constant 1.000000e+00 : f32
    %max3A_1106 = vector.broadcast %max3A_1105 : f32 to vector<1x1xf32>
    %max3A_1107 = arith.maximumf %broadcast_in_dim3A_1090, %max3A_1106 : vector<1x1xf32>
    %div3A_1108 = arith.divf %broadcast_in_dim3A_1097, %max3A_1107 : vector<1x1xf32>
    %jit3A_1109 = arith.constant 0.00999999977 : f32
    %jit3A_1110 = arith.constant 9.900000e-01 : f32
    %max3A_1111 = vector.broadcast %jit3A_1109 : f32 to vector<1x1xf32>
    %max3A_1112 = arith.maximumf %max3A_1111, %div3A_1108 : vector<1x1xf32>
    %min3A_1113 = vector.broadcast %jit3A_1110 : f32 to vector<1x1xf32>
    %min3A_1114 = arith.minimumf %min3A_1113, %max3A_1112 : vector<1x1xf32>
    %div3A_1115 = arith.divf %broadcast_in_dim3A_1104, %max3A_1107 : vector<1x1xf32>
    %sub3A_1116 = arith.subf %div3A_1115, %min3A_1114 : vector<1x1xf32>
    %abs3A_1117 = math.absf %sub3A_1116 : vector<1x1xf32>
    %div3A_1118 = arith.constant 5.000000e+04 : f32
    %div3A_1119 = vector.broadcast %div3A_1118 : f32 to vector<1x1xf32>
    %div3A_1120 = arith.divf %broadcast_in_dim3A_1090, %div3A_1119 : vector<1x1xf32>
    %mul3A_1121 = arith.mulf %abs3A_1117, %div3A_1120 : vector<1x1xf32>
    %gt3A_1122 = arith.constant 0.000000e+00 : f32
    %gt3A_1123 = vector.broadcast %gt3A_1122 : f32 to vector<1x1xf32>
    %gt3A_1124 = arith.cmpf ogt, %broadcast_in_dim3A_1090, %gt3A_1123 : vector<1x1xf32>
    %jit3A_1125 = arith.constant 0.000000e+00 : f32
    %broadcast_in_dim3A_1126 = vector.broadcast %jit3A_1125 : f32 to vector<1x1xf32>
    %select_n3A_1127 = arith.select %gt3A_1124, %mul3A_1121, %broadcast_in_dim3A_1126 : vector<1x1xi1>, vector<1x1xf32>
    %add3A_1128 = arith.addf %add3A_1073, %select_n3A_1127 : vector<1x1xf32>
    %swap3A = arith.constant 0 : index
    %swap3A_1129 = arith.constant 0 : index
    %swap3A_1130 = vector.load %arg4[%swap3A, %swap3A_1129] : memref<1x1xf32, #tpu.memory_space<vmem>>, vector<1x1xf32>
    tpu.vector_store %arg4[%swap3A, %swap3A_1129], %add3A_1128 {strides = array<i32>} : memref<1x1xf32, #tpu.memory_space<vmem>>, vector<1x1xf32>,
    return
  }
}

</mosaic_0001>

<sc_bundles>
// kernel: kernel.5.cloned.1.call-start
scs
__scs_entry_jumppad:
0x0: {  	(pc) =	sbr.rel $0x88, $3  }
0x1: {  	(tag) =	ssettag $0x0;
	lr =	simm.s32 $0x1  }
0x2: {  	[smem:$0x3F9F] =	sst lr;
	_ =	strace $0xD0000000  }
0x3: {  	_ = 	snop  }
0x4: {  	_ = 	snop  }
0x5: {  	_ = 	snop  }
0x6: {  	_ = 	snop  }
0x7: {  	_ = 	snop  }
__scs_overlays_trampoline_lowered:
0x8: {  	[smem:$0x3FAE] =	sst s0  }
0x9: {  	[smem:$0x3FAF] =	sst s1  }
0xa: {  	[smem:$0x3FB0] =	sst s2  }
0xb: {  	[smem:$0x3FB1] =	sst s3  }
0xc: {  	[smem:$0x3FB2] =	sst s4  }
0xd: {  	[smem:$0x3FB3] =	sst s5  }
0xe: {  	[smem:$0x3FB4] =	sst s6  }
0xf: {  	[smem:$0x3FB5] =	sst s7  }
0x10: {  	[smem:$0x3FB6] =	sst s8  }
0x11: {  	[smem:$0x3FB7] =	sst s9;
	s0 =	simm.s32 @!p0 $0x0  }
0x12: {  	s1 =	sld [smem:$0x3F9D];
	s0 =	simm.s32 @p0 $0x1  }
0x13: {  	[smem:$0x3FB8] =	sst s0;
	s0 =	simm.s32 @!p1 $0x0  }
0x14: {  	s2 =	sld [smem:$0x3F9C];
	s0 =	simm.s32 @p1 $0x1  }
0x15: {  	[smem:$0x3FB9] =	sst s0;
	s0 =	simm.s32 @!p2 $0x0  }
0x16: {  	s3 =	sld [smem:$0x3FDB];
	s0 =	simm.s32 @p2 $0x1  }
0x17: {  	s4 =	simm.s32 $0x1BF5;
	[smem:$0x3FBB] =	sst s0  }
0x18: {  	s0 =	sld [smem:$0x3F9E];
	_ =	swait.ge [sflag:s4], $0x0  }
0x19: {  	s7 =	sld [smem:$0x3F9F]  }
0x1a: {  	s8 =	sadd.s32 $0xFFFFE003, lr  }
0x1b: {  	s9 =	sadd.s32 $0xFFFFFEF7, lr;
	s5 =	simm.s32 $0xFFFFFFFF;
	p2 =	slt.u32 s8, $0xFFFFF086  }
0x1c: {  	p1 =	slt.u32 s9, $0xF7A;
	s5 =	simm.s32 @!p2 $0x0  }
0x1d: {  	s5 =	simm.s32 @p1 $0x1;
	p0 =	seq.s32 s7, s2  }
0x1e: {  	s7 =	smul.u32 @!p0 $0xF7A, s2;
	p2 =	seq.s32 @!p0 s5, $0x0  }
0x1f: {  	s9 =	smul.u32 $0xF7A, s1;
	s8 =	simm.s32 @!p0 $0x1BF5;
	p2 =	por !p2, p0  }
0x20: {  	[sflag:s8] =	ssyncset.s32 @!p0 $0xFFFFF086;
	s6 =	sadd.s32 @!p0 s3, s7;
	s7 =	simm.s32 @!p0 $0x108  }
0x21: {  	s3 =	sadd.s32 s3, s9;
	s6 =	sadd.s32 @!p0 $0x88, s6;
	s7 =	simm.s32 @p2 $0x1082  }
0x22: {  	[simem:s7], [sflag:s8] =	dma.local @!p0 [hbm:s6], $0xF7A  }
0x23: {  	s9 =	sor.u32 $0xD0000000, s2;
	s6 =	simm.s32 $0x108;
	_ =	swait.ge @!p0 [sflag:s8], $0x0  }
0x24: {  	s3 =	sadd.s32 $0x88, s3;
	s6 =	simm.s32 @!p1 $0x1082;
	[sflag:s4] =	ssyncset.s32 $0xFFFFF086  }
0x25: {  	[simem:s6], [sflag:s4] =	dma.local [hbm:s3], $0xF7A  }
0x26: {  	[smem:$0x3F9F] =	sst s1;
	(tag) =	ssettag s2;
	_ =	strace s9  }
0x27: {  	s1 =	sld [smem:$0x3FAF]  }
0x28: {  	s2 =	sld [smem:$0x3FB0]  }
0x29: {  	s4 =	sld [smem:$0x3FB2]  }
0x2a: {  	p0 =	seq.s32 s5, $0x0;
	s5 =	sld [smem:$0x3FB3]  }
0x2b: {  	s6 =	sld [smem:$0x3FB4]  }
0x2c: {  	s7 =	sld [smem:$0x3FB5]  }
0x2d: {  	s3 =	simm.s32 $0x108;
	s8 =	sld [smem:$0x3FB6]  }
0x2e: {  	s3 =	simm.s32 @!p0 $0x1082;
	s9 =	sld [smem:$0x3FB7]  }
0x2f: {  	lr =	sadd.s32 s0, s3;
	s0 =	sld [smem:$0x3FAE]  }
0x30: {  	s3 =	sld [smem:$0x3FB1]  }
0x31: {  	[smem:$0x3FBA] =	sst s10  }
0x32: {  	s10 =	sld [smem:$0x3FB8];
	_ =	sdelay $0x3  }
0x33: {  	p0 =	seq.s32 s10, $0x1;
	s10 =	sld [smem:$0x3FBA];
	_ =	sdelay $0x3  }
0x34: {  	[smem:$0x3FBA] =	sst s10  }
0x35: {  	s10 =	sld [smem:$0x3FB9];
	_ =	sdelay $0x3  }
0x36: {  	p1 =	seq.s32 s10, $0x1;
	s10 =	sld [smem:$0x3FBA];
	_ =	sdelay $0x3  }
0x37: {  	[smem:$0x3FBA] =	sst s10  }
0x38: {  	s10 =	sld [smem:$0x3FBB]  }
0x39: {  	_ = 	snop;
	(pc) =	sbr.ind lr, $3  }
0x3a: {  	_ = 	snop  }
0x3b: {  	_ = 	snop  }
0x3c: {  	p2 =	seq.s32 s10, $0x1;
	s10 =	sld [smem:$0x3FBA]  }
0x3d: {  	_ =	shalt  }
0x3e: {  	_ =	shalt  }
0x3f: {  	_ =	shalt  }
0x40: {  	_ =	shalt  }
0x41: {  	_ =	shalt  }
0x42: {  	_ =	shalt  }
0x43: {  	_ =	shalt  }
0x44: {  	_ =	shalt  }
0x45: {  	_ =	shalt  }
0x46: {  	_ =	shalt  }
0x47: {  	_ =	shalt  }
0x48: {  	_ =	shalt  }
0x49: {  	_ =	shalt  }
0x4a: {  	_ =	shalt  }
0x4b: {  	_ =	shalt  }
0x4c: {  	_ =	shalt  }
0x4d: {  	_ =	shalt  }
0x4e: {  	_ =	shalt  }
0x4f: {  	_ =	shalt  }
0x50: {  	_ =	shalt  }
0x51: {  	_ =	shalt  }
0x52: {  	_ =	shalt  }
0x53: {  	_ =	shalt  }
0x54: {  	_ =	shalt  }
0x55: {  	_ =	shalt  }
0x56: {  	_ =	shalt  }
0x57: {  	_ =	shalt  }
0x58: {  	_ =	shalt  }
0x59: {  	_ =	shalt  }
0x5a: {  	_ =	shalt  }
0x5b: {  	_ =	shalt  }
0x5c: {  	_ =	shalt  }
0x5d: {  	_ =	shalt  }
0x5e: {  	_ =	shalt  }
0x5f: {  	_ =	shalt  }
0x60: {  	_ =	shalt  }
0x61: {  	_ =	shalt  }
0x62: {  	_ =	shalt  }
0x63: {  	_ =	shalt  }
0x64: {  	_ =	shalt  }
0x65: {  	_ =	shalt  }
0x66: {  	_ =	shalt  }
0x67: {  	_ =	shalt  }
0x68: {  	_ =	shalt  }
0x69: {  	_ =	shalt  }
0x6a: {  	_ =	shalt  }
0x6b: {  	_ =	shalt  }
0x6c: {  	_ =	shalt  }
0x6d: {  	_ =	shalt  }
0x6e: {  	_ =	shalt  }
0x6f: {  	_ =	shalt  }
0x70: {  	_ =	shalt  }
0x71: {  	_ =	shalt  }
0x72: {  	_ =	shalt  }
0x73: {  	_ =	shalt  }
0x74: {  	_ =	shalt  }
0x75: {  	_ =	shalt  }
0x76: {  	_ =	shalt  }
0x77: {  	_ =	shalt  }
0x78: {  	_ =	shalt  }
0x79: {  	_ =	shalt  }
0x7a: {  	_ =	shalt  }
0x7b: {  	_ =	shalt  }
0x7c: {  	_ =	shalt  }
0x7d: {  	_ =	shalt  }
0x7e: {  	_ =	shalt  }
0x7f: {  	_ =	shalt  }
0x80: {  	_ =	shalt  }
0x81: {  	_ =	shalt  }
0x82: {  	_ =	shalt  }
0x83: {  	_ =	shalt  }
0x84: {  	_ =	shalt  }
0x85: {  	_ =	shalt  }
0x86: {  	_ =	shalt  }
0x87: {  	_ =	shalt  }
.Lfunc_end0:
.L_simem_size_0:
called_computation_lowered:
.L_overlay_start_0:
0x88: {  	s2 =	sld [smem:$0x3FD9]  }
0x89: {  	s3 =	sld [smem:$0x3FFE];
	_ =	sdelay $0x1  }
0x8a: {  	s1 =	srdreg.scid  }
0x8b: {  	s0 =	sand.u32 $0x1, s1  }
0x8c: {  	s17 =	sshll.u32 s0, $0xA;
	s2 =	sadd.s32 s3, s2  }
0x8d: {  	s2 =	sadd.s32 s2, s17  }
0x8e: {  	[smem:$0x3FC6] =	sst s2  }
0x8f: {  	_ = 	snop  }
0x90: {  	s2 =	sld [smem:$0x3FC8];
	(tm) =	ssettm $0x1  }
0x91: {  	s18 =	sld [smem:$0x3FFB];
	_ =	sdelay $0x3  }
0x92: {  	_ =	strace s18  }
0x93: {  	s3 =	sld [smem:$0x3FFC];
	_ =	sdelay $0x3  }
0x94: {  	_ =	strace s3  }
0x95: {  	s3 =	sld [smem:$0x3FFD];
	_ =	sdelay $0x3  }
0x96: {  	_ =	strace s3  }
0x97: {  	_ =	strace $0x8FFFFFFF  }
0x98: {  	s19 =	sld [smem:$0x3FDB];
	_ =	sdelay $0x1  }
0x99: {  	s4 =	simm.s32 $_scs_section_size  }
0x9a: {  	s5 =	simm.s32 $_size__tile_overlayer_lowered;
	s6 =	simm.s32 $_tile_overlayer_lowered  }
0x9b: {  	s22 =	simm.s32 $0x1BFF;
	s21 =	sshll.u32 s6, $0x1;
	s3 =	sadd.s32 s4, s19  }
0x9c: {  	s7 =	simm.s32 $0x0;
	s20 =	sshll.u32 s5, $0x1;
	s5 =	sadd.s32 s21, s3  }
0x9d: {  	[timem:s7], [sflag:s22] =	dma.local [hbm:s5], s20  }
0x9e: {  	_ =	swait.ge [sflag:s22], s20  }
0x9f: {  	s4 =	ssub.s32 $0x0, s20;
	[sflag:s22] =	ssyncset.done $0x0  }
0xa0: {  	[sflag:s22] =	ssyncadd.s32 s4;
	_ =	sdelay $0x1  }
0xa1: {  	s23 =	simm.s32 $0x1B8B  }
0xa2: {  	_ =	swait.ge [sflag:s23], $0x1  }
0xa3: {  	[sflag:s23] =	ssyncset.done $0x0  }
0xa4: {  	s25 =	simm.s32 $0x1B8E;
	s24 =	sld [smem:$0x3FFE];
	[sflag:s23] =	ssyncadd.s32 $0xFFFFFFFF  }
0xa5: {  	s26 =	simm.s32 $execute0_lowered;
	[smem:$0x3FD2] =	sst s25  }
0xa6: {  	s5 =	sshll.u32 s26, $0x1;
	_ =	strace $0x80000046;
	[dreg:$0x1] =	wrdreg $0xFFFFFFFF  }
0xa7: {  	s28 =	simm.s32 $_size_execute0_lowered;
	s3 =	sadd.s32 s3, s5;
	[dreg:$0x0] =	wrdreg $0x0  }
0xa8: {  	s5 =	sshll.u32 s28, $0x1;
	[dreg:$0x2] =	wrdreg s3  }
0xa9: {  	[dreg:$0x3] =	wrdreg s5  }
0xaa: {  	[dreg:$0x4] =	wrdreg $0xC0  }
0xab: {  	_ =	task [dreg:s7], $0x5FFFF  }
0xac: {  	[dreg:$0x1] =	wrdreg $0xFFFFFFFF  }
0xad: {  	[dreg:$0x0] =	wrdreg $0x60  }
0xae: {  	[dreg:$0x2] =	wrdreg s24  }
0xaf: {  	[dreg:$0x3] =	wrdreg s2  }
0xb0: {  	[dreg:$0x4] =	wrdreg $0x9  }
0xb1: {  	_ =	task.clear_ibuf [dreg:s7], $0x5FFFF;
	_ =	strace $0x90000046  }
0xb2: {  	s29 =	simm.s32 $0x9;
	_ =	strace $0x80000048  }
0xb3: {  	_ =	swait.ge [sflag:s29], $0x1  }
0xb4: {  	[sflag:s29] =	ssyncadd.s32 $0xFFFFFFFF  }
0xb5: {  	_ =	strace $0x90000048  }
0xb6: {  	_ =	sfence  }
0xb7: {  	s30 =	sld [smem:$0x0];
	_ =	sdelay $0x2  }
0xb8: {  	s31 =	sshll.u32 s1, $0xD;
	s1 =	sshrl.u32 s1, $0x2  }
0xb9: {  	s3 =	sand.u32 $0x4000, s31;
	s1 =	sadd.s32 s1, s30  }
0xba: {  	s0 =	sor.u32 s3, s0;
	s1 =	sshll.u32 s1, $0x11  }
0xbb: {  	s0 =	sor.u32 s1, s0  }
0xbc: {  	s0 =	sadd.s32 $0x8F2B, s0  }
0xbd: {  	[sflag:s0] =	ssyncadd.remote.s32 $0x1  }
0xbe: {  	_ =	sfence.sel $0xFFFF  }
0xbf: {  	[dreg:$0x0] =	wrdreg $0xFFFFFFFF;
	(pc) =	sbr.abs _section_cstart, $3  }
0xc0: {  	[dreg:$0x1] =	wrdreg $0xFFFFFFFF  }
0xc1: {  	_ =	task.clear_ibuf [dreg:s7], $0x2FFFF;
	_ =	strace $0x9FFFFFFF  }
0xc2: {  	(tm) =	ssettm $0x7FFFFFFF  }
0xc3: {  	_ =	shalt  }
tec
execute0_lowered:
.L_overlay_start_1:
0x0: {  	(tag) =	ssettag $0x1  }
0x1: {  	v0 =	vimm.s32 $0x2380;
	vm0 =	vcmask $0x300  }
0x2: {  	vm14 =	vcmask $0x704;
	v0 =	vsel vm0, $0x0, v0  }
0x3: {  	vm15 =	vcmask $0xB08;
	v0 =	vsel vm14, $0x80, v0  }
0x4: {  	vm4 =	vcmask $0xF0C;
	v0 =	vsel vm15, $0x100, v0  }
0x5: {  	vm5 =	vcmask $0x1310;
	v0 =	vsel vm4, $0x180, v0  }
0x6: {  	s5 =	rddreg [dreg:$0x0];
	vm6 =	vcmask $0x1714;
	v0 =	vsel vm5, $0x200, v0  }
0x7: {  	s1 =	srdreg.scid;
	s0 =	stileid.u32;
	vm7 =	vcmask $0x1B18;
	v0 =	vsel vm6, $0x280, v0  }
0x8: {  	s6 =	rddreg [dreg:$0x1];
	s2 =	simm.s32 $0x0;
	vm8 =	vcmask $0x1F1C;
	s11 =	simm.s32 $0x1;
	v0 =	vsel vm7, $0x300, v0  }
0x9: {  	vm9 =	vcmask $0x2320;
	s12 =	simm.s32 $0x4280;
	s4 =	sand.u32 $0x1, s1;
	s3 =	sshll.u32 s0, $0x1;
	v0 =	vsel vm8, $0x380, v0  }
0xa: {  	vm10 =	vcmask $0x2724;
	s13 =	simm.s32 $0x4500;
	s14 =	simm.s32 $0x0;
	s3 =	sor.u32 s4, s3;
	v0 =	vsel vm9, $0x2000, v0  }
0xb: {  	vm11 =	vcmask $0x2B28;
	[smem:$0x7FF] =	sst s2;
	s8 =	ssub.s32 $0x2, s4;
	s7 =	smul.u32 $0x280, s3;
	v0 =	vsel vm10, $0x2080, v0  }
0xc: {  	vm12 =	vcmask $0x2F2C;
	s1 =	rddreg [dreg:$0x2];
	_ =	strace $0x80000047;
	s9 =	sshrl.u32 s8, $0x1;
	v0 =	vsel vm11, $0x2100, v0  }
0xd: {  	vm13 =	vcmask $0x3330;
	s3 =	sadd.s32 $0x600, s5;
	s8 =	ssub.s32 s8, s9;
	s4 =	sadd.s32 $0x7350, s7;
	v0 =	vsel vm12, $0x2180, v0  }
0xe: {  	vm14 =	vcmask $0x3734;
	s9 =	simm.s32 $0x4000;
	s7 =	sshrl.u32 s7, $0x3;
	s10 =	sshrl.u32 s4, $0x3;
	v0 =	vsel vm13, $0x2200, v0  }
0xf: {  	vm15 =	vcmask $0x3B38;
	s8 =	smax.u32 s8, $0x1;
	s7 =	sadd.s32 s7, s5;
	s5 =	sadd.s32 s6, s10;
	v0 =	vsel vm14, $0x2280, v0  }
0x10: {  	v1 =	vimm.s32 $0x0;
	s6 =	sadd.s32 $0x61B800, s7;
	s7 =	sadd.s32 $0x61AE00, s7;
	s10 =	simm.s32 $0x2;
	v0 =	vsel vm15, $0x2300, v0  }
.LBB2_1:
0x11: {  	[tilespmem:s9], [sflag:$0x2] =	stream.linear.gather [hbm4b:s5+s2], $0x280, $0x38;
	[tilespmem:$0x4780] =	vst v63  }
0x12: {  	_ =	swait.ge [sflag:s10], $0x280  }
0x13: {  	[sflag:s10] =	ssyncset.done $0x0  }
0x14: {  	s15 =	simm.s32 $0x0;
	[sflag:s10] =	ssyncadd.s32 $0xFFFFFD80  }
.LBB2_2:
0x15: {  	s17 =	simm.s32 $0x7  }
0x16: {  	v3 =	vimm.f32 $-Inf;
	v7 =	vimm.s32 $0x0;
	s20 =	simm.s32 $0x3;
	s18 =	simm.s32 $0x0;
	s26 =	simm.s32 $0x2;
	v8 =	vmov s17  }
0x17: {  	s22 =	simm.s32 $0x1;
	s23 =	simm.s32 $0x5;
	v6 =	vmov s20;
	v2 =	vmov s18;
	v4 =	vmov s26  }
0x18: {  	s16 =	sshll.u32 s15, $0x4;
	s24 =	simm.s32 $0x6;
	v5 =	vmov s22;
	v12 =	vmov s23;
	v9 =	vshll.u32 v2, $0x3  }
0x19: {  	s19 =	sadd.s32 s4, s16;
	v14 =	vmov s24;
	v2 =	vand.u32 $0x78, v2;
	v9 =	vand.u32 $0x1C00, v9  }
0x1a: {  	s19 =	sshll.u32 s19, $0x7;
	v11 =	vshll.u32 v5, $0x3;
	v5 =	vand.u32 $0x79, v5;
	v2 =	vor.u32 v9, v2  }
0x1b: {  	s19 =	sadd.s32 s3, s19;
	v9 =	vand.u32 $0x1C00, v11;
	v11 =	vshll.u32 v4, $0x3;
	v2 =	vor.u32 v0, v2  }
0x1c: {  	[tilespmem:s2], [sflag:$0x1] =	stream.linear.gather [hbm4b:s19+s2], $0x4000, $0x38;
	v5 =	vor.u32 v9, v5;
	v9 =	vand.u32 $0x7A, v4;
	v11 =	vand.u32 $0x1C00, v11;
	[tilespmem:$0x4780] =	vst v63  }
0x1d: {  	s21 =	simm.s32 $0x4;
	_ =	swait.ge [sflag:s11], $0x4000;
	v4 =	vor.u32 v0, v5;
	v5 =	vor.u32 v11, v9;
	v9 =	vshll.u32 v6, $0x3  }
0x1e: {  	v11 =	vmov s21;
	[sflag:s11] =	ssyncset.done $0x0;
	v6 =	vand.u32 $0x7B, v6;
	v9 =	vand.u32 $0x1C00, v9  }
0x1f: {  	s28 =	simm.s32 $0x8;
	v5 =	vor.u32 v0, v5;
	[sflag:s11] =	ssyncadd.s32 $0xFFFFC000;
	v6 =	vor.u32 v9, v6;
	v9 =	vshll.u32 v11, $0x3  }
0x20: {  	v19 =	vmov s28;
	v11 =	vand.u32 $0x7C, v11;
	v9 =	vand.u32 $0x1C00, v9;
	v13 =	vld.idx.msk [tilespmem:v2+s2+$0x0], $0xffff  }
0x21: {  	v6 =	vor.u32 v0, v6;
	v9 =	vor.u32 v9, v11;
	v11 =	vshll.u32 v12, $0x3  }
0x22: {  	v15 =	vld.idx.msk [tilespmem:v4+s2+$0x0], $0xffff;
	v16 =	vor.u32 v0, v9;
	v9 =	vand.u32 $0x7D, v12;
	v11 =	vand.u32 $0x1C00, v11  }
0x23: {  	v10 =	vand.u32 $0x7F, v8;
	v8 =	vshll.u32 v8, $0x3;
	v9 =	vor.u32 v11, v9  }
0x24: {  	v8 =	vand.u32 $0x1C00, v8;
	v11 =	vshll.u32 v14, $0x3;
	v12 =	vld.idx.msk [tilespmem:v5+s2+$0x0], $0xffff;
	v17 =	vor.u32 v0, v9  }
0x25: {  	v9 =	vand.u32 $0x7E, v14;
	v11 =	vand.u32 $0x1C00, v11;
	vm0 =	vgt.f32 v13, v3  }
0x26: {  	v8 =	vor.u32 v8, v10;
	v9 =	vor.u32 v11, v9;
	v11 =	vld.idx.msk [tilespmem:v6+s2+$0x0], $0xffff;
	v3 =	vsel vm0, v13, v3  }
0x27: {  	v7 =	vsel vm0, s18, v7;
	v13 =	vor.u32 v0, v9;
	vm0 =	vgt.f32 v15, v3  }
0x28: {  	s25 =	simm.s32 $0x9;
	s19 =	simm.s32 $0xF;
	v14 =	vld.idx.msk [tilespmem:v16+s2+$0x0], $0xffff;
	v15 =	vsel vm0, v15, v3;
	v16 =	vsel vm0, s22, v7;
	v7 =	vor.u32 v0, v8  }
0x29: {  	v20 =	vmov s25;
	v9 =	vmov s19;
	s18 =	simm.s32 $0xB;
	vm0 =	vgt.f32 v12, v15  }
0x2a: {  	v10 =	vmov s18;
	s22 =	simm.s32 $0xA;
	v8 =	vand.u32 $0x7F, v9;
	v12 =	vsel vm0, v12, v15;
	v15 =	vld.idx.msk [tilespmem:v17+s2+$0x0], $0xffff  }
0x2b: {  	v3 =	vmov s22;
	v18 =	vsel vm0, s26, v16;
	vm0 =	vgt.f32 v11, v12  }
0x2c: {  	v17 =	vand.u32 $0x79, v20;
	v16 =	vld.idx.msk [tilespmem:v13+s2+$0x0], $0xffff;
	v13 =	vand.u32 $0x7A, v3;
	v21 =	vsel vm0, v11, v12  }
0x2d: {  	s29 =	simm.s32 $0x17;
	s26 =	simm.s32 $0xB;
	v11 =	vsel vm0, s20, v18;
	v18 =	vshll.u32 v3, $0x3;
	s20 =	simm.s32 $0xF;
	vm0 =	vgt.f32 v14, v21;
	v12 =	vld.idx.msk [tilespmem:v7+s2+$0x0], $0xffff  }
.LBB2_3:
0x2e: {  	p0 =	sne.s32 s29, $0x3E7;
	v20 =	vshll.u32 v20, $0x3;
	v14 =	vsel vm0, v14, v21;
	v11 =	vsel vm0, s21, v11  }
0x2f: {  	v21 =	vand.u32 $0x78, v19;
	v19 =	vshll.u32 v19, $0x3;
	vm0 =	vgt.f32 v15, v14  }
0x30: {  	v19 =	vand.u32 $0x1C00, v19;
	v14 =	vsel vm0, v15, v14;
	v11 =	vsel vm0, s23, v11  }
0x31: {  	v15 =	vor.u32 v19, v21;
	v19 =	vand.u32 $0x1C00, v20;
	vm0 =	vgt.f32 v16, v14  }
0x32: {  	v15 =	vor.u32 v0, v15;
	v14 =	vsel vm0, v16, v14;
	v11 =	vsel vm0, s24, v11  }
0x33: {  	v16 =	vor.u32 v19, v17;
	v17 =	vand.u32 $0x1C00, v18;
	vm0 =	vgt.f32 v12, v14  }
0x34: {  	s21 =	sadd.s32 $0xFFFFFFFD, s20;
	v16 =	vor.u32 v0, v16;
	v12 =	vsel vm0, v12, v14;
	v11 =	vsel vm0, s17, v11;
	s17 =	smov.u32 s20;
	s20 =	smov.u32 s29  }
0x35: {  	v13 =	vor.u32 v17, v13;
	v17 =	vmov s21;
	v14 =	vshll.u32 v10, $0x3  }
0x36: {  	v13 =	vor.u32 v0, v13;
	v10 =	vand.u32 $0x7B, v10;
	v14 =	vand.u32 $0x1C00, v14;
	s23 =	sadd.s32 $0xFFFFFFFE, s17  }
0x37: {  	v10 =	vor.u32 v14, v10;
	v14 =	vshll.u32 v17, $0x3;
	v18 =	vmov s23;
	v15 =	vld.idx.msk [tilespmem:v15+s2+$0x0], $0xffff  }
0x38: {  	s24 =	sadd.s32 $0xFFFFFFFF, s17;
	v17 =	vand.u32 $0x7C, v17;
	v10 =	vor.u32 v0, v10;
	v14 =	vand.u32 $0x1C00, v14  }
0x39: {  	v19 =	vmov s24;
	v14 =	vor.u32 v14, v17;
	v17 =	vshll.u32 v18, $0x3;
	v16 =	vld.idx.msk [tilespmem:v16+s2+$0x0], $0xffff  }
0x3a: {  	v18 =	vand.u32 $0x7D, v18;
	v14 =	vor.u32 v0, v14;
	v17 =	vand.u32 $0x1C00, v17  }
0x3b: {  	v9 =	vshll.u32 v9, $0x3;
	v17 =	vor.u32 v17, v18;
	v18 =	vshll.u32 v19, $0x3;
	v13 =	vld.idx.msk [tilespmem:v13+s2+$0x0], $0xffff  }
0x3c: {  	v19 =	vand.u32 $0x7E, v19;
	v17 =	vor.u32 v0, v17;
	v18 =	vand.u32 $0x1C00, v18  }
0x3d: {  	vm0 =	vgt.f32 v15, v12;
	v21 =	vld.idx.msk [tilespmem:v10+s2+$0x0], $0xffff;
	v10 =	vor.u32 v18, v19;
	v18 =	vand.u32 $0x1C00, v9  }
0x3e: {  	v12 =	vsel vm0, v15, v12;
	v11 =	vsel vm0, s28, v11;
	v22 =	vor.u32 v0, v10  }
0x3f: {  	v9 =	vmov s29;
	vm0 =	vgt.f32 v16, v12;
	v8 =	vor.u32 v18, v8;
	v14 =	vld.idx.msk [tilespmem:v14+s2+$0x0], $0xffff  }
0x40: {  	s30 =	sadd.s32 $0xFFFFFFFC, s29;
	v12 =	vsel vm0, v16, v12;
	v11 =	vsel vm0, s25, v11;
	v23 =	vor.u32 v0, v8  }
.Ltmp0:
0x41: {  	s31 =	sadd.s32 $0xFFFFFFFB, s29;
	v10 =	vmov s30;
	v8 =	vand.u32 $0x7F, v9;
	vm0 =	vgt.f32 v13, v12;
	v15 =	vld.idx.msk [tilespmem:v17+s2+$0x0], $0xffff;
	(pc) =	sbr.rel @p0 .LBB2_3-.Ltmp0, $4  }
0x42: {  	s28 =	sadd.s32 $0xFFFFFFF9, s29;
	v18 =	vmov s31;
	s25 =	sadd.s32 $0xFFFFFFFA, s29;
	v12 =	vsel vm0, v13, v12;
	v11 =	vsel vm0, s22, v11;
	s22 =	smov.u32 s31  }
0x43: {  	v19 =	vmov s28;
	v20 =	vmov s25;
	vm0 =	vgt.f32 v21, v12;
	v16 =	vld.idx.msk [tilespmem:v22+s2+$0x0], $0xffff  }
0x44: {  	v13 =	vand.u32 $0x7A, v18;
	v21 =	vsel vm0, v21, v12;
	v11 =	vsel vm0, s26, v11;
	s26 =	smov.u32 s30  }
0x45: {  	s29 =	sadd.s32 $0x8, s29;
	v17 =	vand.u32 $0x79, v20;
	v18 =	vshll.u32 v18, $0x3;
	vm0 =	vgt.f32 v14, v21;
	v12 =	vld.idx.msk [tilespmem:v23+s2+$0x0], $0xffff  }
0x46: {  	v14 =	vsel vm0, v14, v21;
	v62 =	vshll.u32 v19, $0x3  }
0x47: {  	v19 =	vand.u32 $0x78, v19;
	vm1 =	vgt.f32 v15, v14;
	v21 =	vand.u32 $0x1C00, v62  }
0x48: {  	v20 =	vshll.u32 v20, $0x3;
	v14 =	vsel vm1, v15, v14;
	v15 =	vor.u32 v21, v19  }
0x49: {  	v19 =	vand.u32 $0x1C00, v20;
	vm2 =	vgt.f32 v16, v14;
	v15 =	vor.u32 v0, v15  }
0x4a: {  	v14 =	vsel vm2, v16, v14;
	v16 =	vor.u32 v19, v17;
	v17 =	vand.u32 $0x1C00, v18  }
0x4b: {  	s29 =	sadd.s32 $0xFFFFFFFE, s20;
	v18 =	vshll.u32 v10, $0x3;
	v10 =	vand.u32 $0x7B, v10;
	v16 =	vor.u32 v0, v16  }
0x4c: {  	s31 =	sadd.s32 $0xFFFFFFFD, s20;
	v19 =	vmov s29;
	vm3 =	vgt.f32 v12, v14;
	v13 =	vor.u32 v17, v13  }
0x4d: {  	v17 =	vand.u32 $0x1C00, v18;
	v18 =	vmov s31;
	v13 =	vor.u32 v0, v13  }
0x4e: {  	v20 =	vshll.u32 v19, $0x3;
	v10 =	vor.u32 v17, v10;
	v17 =	vshll.u32 v18, $0x3;
	v15 =	vld.idx.msk [tilespmem:v15+s2+$0x0], $0xffff  }
0x4f: {  	v18 =	vand.u32 $0x7C, v18;
	v10 =	vor.u32 v0, v10;
	v17 =	vand.u32 $0x1C00, v17  }
0x50: {  	s30 =	sadd.s32 $0xFFFFFFFF, s20;
	v12 =	vsel vm3, v12, v14;
	v17 =	vor.u32 v17, v18;
	v18 =	vand.u32 $0x7D, v19;
	v16 =	vld.idx.msk [tilespmem:v16+s2+$0x0], $0xffff  }
0x51: {  	v19 =	vand.u32 $0x1C00, v20;
	v20 =	vmov s30;
	v17 =	vor.u32 v0, v17  }
0x52: {  	v18 =	vor.u32 v19, v18;
	v14 =	vshll.u32 v20, $0x3;
	v19 =	vand.u32 $0x7E, v20;
	v13 =	vld.idx.msk [tilespmem:v13+s2+$0x0], $0xffff  }
0x53: {  	v18 =	vor.u32 v0, v18;
	v14 =	vand.u32 $0x1C00, v14;
	vm4 =	vgt.f32 v15, v12  }
0x54: {  	v14 =	vor.u32 v14, v19;
	v10 =	vld.idx.msk [tilespmem:v10+s2+$0x0], $0xffff;
	v12 =	vsel vm4, v15, v12  }
0x55: {  	v9 =	vshll.u32 v9, $0x3;
	v14 =	vor.u32 v0, v14;
	vm5 =	vgt.f32 v16, v12  }
0x56: {  	v9 =	vand.u32 $0x1C00, v9;
	v15 =	vld.idx.msk [tilespmem:v17+s2+$0x0], $0xffff;
	v12 =	vsel vm5, v16, v12  }
0x57: {  	v8 =	vor.u32 v9, v8;
	vm6 =	vgt.f32 v13, v12  }
0x58: {  	v11 =	vsel vm0, s21, v11;
	v8 =	vor.u32 v0, v8;
	v16 =	vld.idx.msk [tilespmem:v18+s2+$0x0], $0xffff;
	v12 =	vsel vm6, v13, v12  }
0x59: {  	v11 =	vsel vm1, s23, v11;
	vm11 =	vgt.f32 v10, v12  }
0x5a: {  	v9 =	vsel vm2, s24, v11;
	v11 =	vld.idx.msk [tilespmem:v14+s2+$0x0], $0xffff;
	v10 =	vsel vm11, v10, v12  }
0x5b: {  	v9 =	vsel vm3, s17, v9;
	vm12 =	vgt.f32 v15, v10  }
0x5c: {  	v9 =	vsel vm4, s28, v9;
	v10 =	vsel vm12, v15, v10  }
0x5d: {  	v8 =	vld.idx.msk [tilespmem:v8+s2+$0x0], $0xffff;
	v9 =	vsel vm5, s25, v9;
	s25 =	simm.s32 $0x6;
	vm13 =	vgt.f32 v16, v10  }
0x5e: {  	s23 =	simm.s32 $0x4;
	s24 =	simm.s32 $0x5;
	v14 =	vmov s25;
	v9 =	vsel vm6, s22, v9;
	v10 =	vsel vm13, v16, v10  }
0x5f: {  	v13 =	vmov s24;
	v12 =	vmov s23;
	vm14 =	vgt.f32 v11, v10  }
0x60: {  	v9 =	vsel vm11, s26, v9;
	v10 =	vsel vm14, v11, v10;
	v11 =	vshll.u32 v12, $0x3  }
0x61: {  	v2 =	vld.idx.msk [tilespmem:v2+s2+$0x0], $0xffff;
	v9 =	vsel vm12, s31, v9;
	v12 =	vand.u32 $0x7C, v12;
	v11 =	vand.u32 $0x1C00, v11  }
0x62: {  	vm15 =	vgt.f32 v8, v10;
	v11 =	vor.u32 v11, v12;
	v12 =	vshll.u32 v13, $0x3  }
0x63: {  	v15 =	vld.idx.msk [tilespmem:v4+s2+$0x0], $0xffff;
	v13 =	vand.u32 $0x7D, v13;
	v11 =	vor.u32 v0, v11;
	v4 =	vand.u32 $0x1C00, v12  }
0x64: {  	v12 =	vshll.u32 v14, $0x3;
	v4 =	vor.u32 v4, v13;
	v13 =	vld.idx.msk [tilespmem:v5+s2+$0x0], $0xffff;
	v5 =	vand.u32 $0x7E, v14  }
0x65: {  	v12 =	vand.u32 $0x1C00, v12;
	v14 =	vor.u32 v0, v4;
	v4 =	vsel vm15, v8, v10  }
0x66: {  	v9 =	vsel vm13, s29, v9;
	v10 =	vld.idx.msk [tilespmem:v6+s2+$0x0], $0xffff;
	v5 =	vor.u32 v12, v5;
	v8 =	vsub.f32 v2, v4  }
0x67: {  	v6 =	vsel vm14, s30, v9;
	v12 =	vor.u32 v0, v5  }
0x68: {  	v5 =	vmov s19;
	v9 =	vsub.f32 v15, v4;
	v16 =	vld.idx.msk [tilespmem:v11+s2+$0x0], $0xffff;
	v15 =	vmul.f32 $5.000000000e-01, v8  }
0x69: {  	v2 =	vsel vm15, s20, v6;
	v6 =	vshll.u32 v5, $0x3;
	v13 =	vsub.f32 v13, v4  }
0x6a: {  	s26 =	simm.s32 $0xE;
	v11 =	vimm.f32 $0.0e+00;
	v17 =	vld.idx.msk [tilespmem:v14+s2+$0x0], $0xffff;
	v14 =	vmul.f32 $5.000000000e-01, v9;
	v15 =	vmul.f32 $1.442695020e+00, v15  }
0x6b: {  	s28 =	simm.s32 $0xD;
	v8 =	vmov s26;
	v18 =	vsub.f32 v10, v4;
	v13 =	vmul.f32 $5.000000000e-01, v13  }
0x6c: {  	s29 =	simm.s32 $0xC;
	v9 =	vmov s28;
	v19 =	vld.idx.msk [tilespmem:v12+s2+$0x0], $0xffff;
	v14 =	vmul.f32 $1.442695020e+00, v14;
	(erf) = vpow2.f32 v15  }
0x6d: {  	v10 =	vmov s29;
	v18 =	vmul.f32 $5.000000000e-01, v18;
	v15 =	vsub.f32 v16, v4  }
0x6e: {  	v20 =	vld.idx.msk [tilespmem:v7+s2+$0x0], $0xffff;
	s30 =	simm.s32 $0x9;
	v12 =	vmov s18;
	v7 =	vmul.f32 $1.442695020e+00, v13;
	(erf) = vpow2.f32 v14  }
0x6f: {  	s31 =	simm.s32 $0x8;
	v14 =	vmov s30;
	v16 =	vmul.f32 $5.000000000e-01, v15;
	v13 =	vsub.f32 v17, v4  }
0x70: {  	v15 =	vmov s31;
	v17 =	vmul.f32 $1.442695020e+00, v18;
	(erf) = vpow2.f32 v7  }
0x71: {  	v7 =	vand.u32 $0x7B, v12;
	v18 =	vsub.f32 v19, v4;
	v63 =	vmul.f32 $5.000000000e-01, v13  }
0x72: {  	v19 =	vshll.u32 v15, $0x3;
	v22 =	vmul.f32 $1.442695020e+00, v16;
	(erf) = vpow2.f32 v17  }
0x73: {  	v13 =	vand.u32 $0x7A, v3;
	v16 =	vmul.f32 $5.000000000e-01, v18;
	v18 =	vsub.f32 v20, v4  }
0x74: {  	s17 =	simm.s32 $0x17;
	v3 =	vshll.u32 v3, $0x3;
	v17 =	vmul.f32 $1.442695020e+00, v63;
	(erf) = vpow2.f32 v22  }
.LBB2_5:
0x75: {  	p0 =	sne.s32 s17, $0x3E7;
	v15 =	vand.u32 $0x78, v15;
	v21 =	vand.u32 $0x1C00, v19;
	v18 =	vmul.f32 $5.000000000e-01, v18;
	v20 =	vpop (erf)  }
0x76: {  	v11 =	vadd.f32 v20, v11;
	v20 =	vmul.f32 $1.442695020e+00, v16;
	(erf) = vpow2.f32 v17  }
0x77: {  	v15 =	vor.u32 v21, v15;
	v17 =	vand.u32 $0x79, v14;
	v14 =	vshll.u32 v14, $0x3;
	v19 =	vpop (erf)  }
0x78: {  	v18 =	vmul.f32 $1.442695020e+00, v18;
	v11 =	vadd.f32 v19, v11;
	(erf) = vpow2.f32 v20  }
0x79: {  	v3 =	vand.u32 $0x1C00, v3;
	v15 =	vor.u32 v0, v15;
	v14 =	vand.u32 $0x1C00, v14;
	v16 =	vpop (erf)  }
0x7a: {  	v14 =	vor.u32 v14, v17;
	v11 =	vadd.f32 v16, v11;
	(erf) = vpow2.f32 v18  }
0x7b: {  	v12 =	vshll.u32 v12, $0x3;
	v3 =	vor.u32 v3, v13;
	v14 =	vor.u32 v0, v14;
	v13 =	vpop (erf)  }
0x7c: {  	v12 =	vand.u32 $0x1C00, v12;
	v3 =	vor.u32 v0, v3;
	v11 =	vadd.f32 v13, v11  }
0x7d: {  	v7 =	vor.u32 v12, v7;
	v12 =	vand.u32 $0x7C, v10;
	v10 =	vshll.u32 v10, $0x3;
	v13 =	vpop (erf)  }
0x7e: {  	v7 =	vor.u32 v0, v7;
	v10 =	vand.u32 $0x1C00, v10;
	v15 =	vld.idx.msk [tilespmem:v15+s2+$0x0], $0xffff;
	v11 =	vadd.f32 v13, v11  }
0x7f: {  	v10 =	vor.u32 v10, v12;
	v12 =	vand.u32 $0x7D, v9;
	v9 =	vshll.u32 v9, $0x3;
	v13 =	vpop (erf)  }
0x80: {  	v10 =	vor.u32 v0, v10;
	v9 =	vand.u32 $0x1C00, v9;
	v14 =	vld.idx.msk [tilespmem:v14+s2+$0x0], $0xffff;
	v11 =	vadd.f32 v13, v11  }
0x81: {  	v9 =	vor.u32 v9, v12;
	v12 =	vand.u32 $0x7E, v8;
	v8 =	vshll.u32 v8, $0x3;
	v3 =	vld.idx.msk [tilespmem:v3+s2+$0x0], $0xffff;
	v13 =	vpop (erf)  }
0x82: {  	v9 =	vor.u32 v0, v9;
	v8 =	vand.u32 $0x1C00, v8;
	v11 =	vadd.f32 v13, v11  }
0x83: {  	v6 =	vand.u32 $0x1C00, v6;
	v8 =	vor.u32 v8, v12;
	v12 =	vand.u32 $0x7F, v5;
	v7 =	vld.idx.msk [tilespmem:v7+s2+$0x0], $0xffff;
	v5 =	vpop (erf)  }
0x84: {  	v13 =	vsub.f32 v15, v4;
	v15 =	vor.u32 v0, v8;
	v11 =	vadd.f32 v5, v11  }
0x85: {  	v6 =	vor.u32 v6, v12;
	v5 =	vmov s17;
	v16 =	vld.idx.msk [tilespmem:v10+s2+$0x0], $0xffff  }
0x86: {  	v10 =	vmul.f32 $5.000000000e-01, v13;
	v12 =	vsub.f32 v14, v4;
	v13 =	vor.u32 v0, v6  }
0x87: {  	s18 =	sadd.s32 $0xFFFFFFFF, s17;
	v6 =	vshll.u32 v5, $0x3;
	v3 =	vsub.f32 v3, v4;
	v17 =	vld.idx.msk [tilespmem:v9+s2+$0x0], $0xffff  }
0x88: {  	s19 =	sadd.s32 $0xFFFFFFFE, s17;
	v8 =	vmov s18;
	v14 =	vmul.f32 $1.442695020e+00, v10;
	v12 =	vmul.f32 $5.000000000e-01, v12  }
0x89: {  	s18 =	sadd.s32 $0xFFFFFFFD, s17;
	v9 =	vmov s19;
	v3 =	vmul.f32 $5.000000000e-01, v3;
	v7 =	vsub.f32 v7, v4;
	v18 =	vld.idx.msk [tilespmem:v15+s2+$0x0], $0xffff  }
0x8a: {  	s19 =	sadd.s32 $0xFFFFFFFC, s17;
	v10 =	vmov s18;
	v15 =	vmul.f32 $1.442695020e+00, v12;
	(erf) = vpow2.f32 v14  }
0x8b: {  	s18 =	sadd.s32 $0xFFFFFFFB, s17;
	v12 =	vmov s19;
	v7 =	vmul.f32 $5.000000000e-01, v7;
	v16 =	vsub.f32 v16, v4;
	v19 =	vld.idx.msk [tilespmem:v13+s2+$0x0], $0xffff  }
0x8c: {  	v20 =	vmov s18;
	s19 =	sadd.s32 $0xFFFFFFFA, s17;
	v3 =	vmul.f32 $1.442695020e+00, v3;
	(erf) = vpow2.f32 v15  }
0x8d: {  	s18 =	sadd.s32 $0xFFFFFFF9, s17;
	v14 =	vmov s19;
	v16 =	vmul.f32 $5.000000000e-01, v16;
	v13 =	vsub.f32 v17, v4  }
.Ltmp1:
0x8e: {  	v15 =	vmov s18;
	v17 =	vmul.f32 $1.442695020e+00, v7;
	(erf) = vpow2.f32 v3;
	(pc) =	sbr.rel @p0 .LBB2_5-.Ltmp1, $4  }
0x8f: {  	v7 =	vand.u32 $0x7B, v12;
	v21 =	vmul.f32 $5.000000000e-01, v13;
	v18 =	vsub.f32 v18, v4  }
0x90: {  	v13 =	vand.u32 $0x7A, v20;
	v22 =	vmul.f32 $1.442695020e+00, v16;
	(erf) = vpow2.f32 v17  }
0x91: {  	v3 =	vshll.u32 v20, $0x3;
	v16 =	vmul.f32 $5.000000000e-01, v18;
	v18 =	vsub.f32 v19, v4  }
0x92: {  	s17 =	sadd.s32 $0x8, s17;
	v19 =	vshll.u32 v15, $0x3;
	v17 =	vmul.f32 $1.442695020e+00, v21;
	(erf) = vpow2.f32 v22  }
0x93: {  	v15 =	vand.u32 $0x78, v15;
	v19 =	vand.u32 $0x1C00, v19;
	v18 =	vmul.f32 $5.000000000e-01, v18  }
0x94: {  	v32 =	vshll.u32 v14, $0x3;
	v33 =	vand.u32 $0x79, v14;
	v15 =	vor.u32 v19, v15  }
0x95: {  	v3 =	vand.u32 $0x1C00, v3;
	v19 =	vand.u32 $0x1C00, v32;
	v15 =	vor.u32 v0, v15  }
0x96: {  	v12 =	vshll.u32 v12, $0x3;
	v34 =	vmul.f32 $1.442695020e+00, v16;
	v14 =	vor.u32 v19, v33  }
0x97: {  	v35 =	vshll.u32 v10, $0x3;
	v3 =	vor.u32 v3, v13;
	v14 =	vor.u32 v0, v14  }
0x98: {  	v37 =	vand.u32 $0x7C, v10;
	v38 =	vshll.u32 v9, $0x3;
	v3 =	vor.u32 v0, v3  }
0x99: {  	v39 =	vand.u32 $0x7D, v9;
	v41 =	vshll.u32 v8, $0x3;
	v12 =	vand.u32 $0x1C00, v12  }
0x9a: {  	v42 =	vand.u32 $0x7E, v8;
	v7 =	vor.u32 v12, v7;
	v12 =	vand.u32 $0x1C00, v35;
	v15 =	vld.idx.msk [tilespmem:v15+s2+$0x0], $0xffff  }
0x9b: {  	v5 =	vand.u32 $0x7F, v5;
	v7 =	vor.u32 v0, v7;
	v10 =	vor.u32 v12, v37  }
0x9c: {  	v20 =	vpop (erf);
	v6 =	vand.u32 $0x1C00, v6;
	v12 =	vand.u32 $0x1C00, v38;
	v10 =	vor.u32 v0, v10;
	v14 =	vld.idx.msk [tilespmem:v14+s2+$0x0], $0xffff  }
0x9d: {  	v11 =	vadd.f32 v20, v11;
	(erf) = vpow2.f32 v17;
	v9 =	vor.u32 v12, v39;
	v3 =	vld.idx.msk [tilespmem:v3+s2+$0x0], $0xffff  }
0x9e: {  	v5 =	vor.u32 v6, v5;
	v12 =	vand.u32 $0x1C00, v41;
	v9 =	vor.u32 v0, v9  }
0x9f: {  	v36 =	vpop (erf);
	v40 =	vmul.f32 $1.442695020e+00, v18;
	v8 =	vor.u32 v12, v42;
	v43 =	vsub.f32 v15, v4  }
0xa0: {  	(erf) = vpow2.f32 v34;
	v11 =	vadd.f32 v36, v11;
	v8 =	vor.u32 v0, v8;
	v7 =	vld.idx.msk [tilespmem:v7+s2+$0x0], $0xffff  }
0xa1: {  	v5 =	vor.u32 v0, v5;
	v46 =	vpop (erf);
	v10 =	vld.idx.msk [tilespmem:v10+s2+$0x0], $0xffff;
	v45 =	vsub.f32 v14, v4;
	v44 =	vmul.f32 $5.000000000e-01, v43  }
0xa2: {  	(erf) = vpow2.f32 v40;
	v11 =	vadd.f32 v46, v11;
	v3 =	vsub.f32 v3, v4  }
0xa3: {  	v47 =	vpop (erf);
	v9 =	vld.idx.msk [tilespmem:v9+s2+$0x0], $0xffff;
	v12 =	vmul.f32 $5.000000000e-01, v45;
	v6 =	vmul.f32 $1.442695020e+00, v44  }
0xa4: {  	v11 =	vadd.f32 v47, v11;
	v3 =	vmul.f32 $5.000000000e-01, v3  }
0xa5: {  	v8 =	vld.idx.msk [tilespmem:v8+s2+$0x0], $0xffff;
	v7 =	vsub.f32 v7, v4;
	v12 =	vmul.f32 $1.442695020e+00, v12;
	(erf) = vpow2.f32 v6  }
0xa6: {  	v48 =	vpop (erf);
	v10 =	vsub.f32 v10, v4;
	v3 =	vmul.f32 $1.442695020e+00, v3  }
0xa7: {  	v5 =	vld.idx.msk [tilespmem:v5+s2+$0x0], $0xffff;
	v7 =	vmul.f32 $5.000000000e-01, v7;
	v6 =	vadd.f32 v48, v11;
	(erf) = vpow2.f32 v12  }
0xa8: {  	v49 =	vpop (erf);
	v9 =	vsub.f32 v9, v4;
	v10 =	vmul.f32 $5.000000000e-01, v10  }
0xa9: {  	v7 =	vmul.f32 $1.442695020e+00, v7;
	v6 =	vadd.f32 v49, v6;
	(erf) = vpow2.f32 v3  }
0xaa: {  	v8 =	vsub.f32 v8, v4;
	v9 =	vmul.f32 $5.000000000e-01, v9;
	v3 =	vpop (erf)  }
0xab: {  	v50 =	vmul.f32 $1.442695020e+00, v10;
	(erf) = vpow2.f32 v7;
	v3 =	vadd.f32 v3, v6  }
0xac: {  	v52 =	vsub.f32 v5, v4;
	v8 =	vmul.f32 $5.000000000e-01, v8;
	v51 =	vpop (erf)  }
0xad: {  	v53 =	vmul.f32 $1.442695020e+00, v9;
	(erf) = vpow2.f32 v50;
	v3 =	vadd.f32 v51, v3  }
0xae: {  	v4 =	vmul.f32 $5.000000000e-01, v52;
	v54 =	vpop (erf)  }
0xaf: {  	v55 =	vmul.f32 $1.442695020e+00, v8;
	(erf) = vpow2.f32 v53;
	v3 =	vadd.f32 v54, v3  }
0xb0: {  	v56 =	vpop (erf)  }
0xb1: {  	v4 =	vmul.f32 $1.442695020e+00, v4;
	(erf) = vpow2.f32 v55;
	v3 =	vadd.f32 v56, v3  }
0xb2: {  	v57 =	vpop (erf)  }
0xb3: {  	(erf) = vpow2.f32 v4;
	v3 =	vadd.f32 v57, v3  }
0xb4: {  	v58 =	vpop (erf)  }
0xb5: {  	v3 =	vadd.f32 v58, v3  }
0xb6: {  	v59 =	vpop (erf)  }
0xb7: {  	v3 =	vadd.f32 v59, v3  }
0xb8: {  	v60 =	vpop (erf)  }
0xb9: {  	v3 =	vadd.f32 v60, v3  }
0xba: {  	v61 =	vpop (erf)  }
0xbb: {  	v3 =	vadd.f32 v61, v3  }
0xbc: {  	v62 =	vpop (erf)  }
0xbd: {  	v3 =	vadd.f32 v62, v3;
	_ =	sdelay $0x1  }
0xbe: {  	(erf) = vrcp.f32 v3;
	_ =	sdelay $0x3  }
0xbf: {  	v3 =	vld [tilespmem:s16+$0x4000];
	_ =	sdelay $0x1  }
0xc0: {  	s15 =	sadd.s32 $0x1, s15  }
0xc1: {  	p0 =	sne.s32 s15, $0x28  }
.Ltmp2:
0xc2: {  	_ = 	snop;
	(pc) =	sbr.rel @p0 .LBB2_2-.Ltmp2, $4  }
0xc3: {  	vm15 =	veq.s32 v2, v3;
	v63 =	vpop (erf)  }
0xc4: {  	v2 =	vsel vm15, $0x3F800000, v1;
	vm0 =	veq.f32 v63, $1.000000000e+00  }
0xc5: {  	[tilespmem:s16+$0x4500] =	vst v2;
	v4 =	vsel vm0, $0x3F7FFFEF, v63  }
0xc6: {  	[tilespmem:s16+$0x4280] =	vst v4  }
0xc7: {  	[hbm4b:s6+s2] =	stream.linear.scatter [tilespmem:s12], [sflag:$0x2], $0x280, $0x38;
	[tilespmem:$0x4780] =	vst v63  }
0xc8: {  	s14 =	sadd.s32 $0x1, s14;
	_ =	swait.ge [sflag:s10], $0x280  }
0xc9: {  	p0 =	sne.s32 s14, s8;
	[sflag:s10] =	ssyncset.done $0x0  }
.Ltmp3:
0xca: {  	[sflag:s10] =	ssyncadd.s32 $0xFFFFFD80;
	(pc) =	sbr.rel @p0 .LBB2_1-.Ltmp3, $4  }
0xcb: {  	[hbm4b:s7+s2] =	stream.linear.scatter [tilespmem:s13], [sflag:$0x2], $0x280, $0x38;
	[tilespmem:$0x4780] =	vst v63  }
0xcc: {  	_ =	swait.ge [sflag:s10], $0x280  }
0xcd: {  	[sflag:s10] =	ssyncset.done $0x0  }
0xce: {  	[sflag:s10] =	ssyncadd.s32 $0xFFFFFD80  }
0xcf: {  	_ =	sfence.sel $0x180000  }
0xd0: {  	[bflag:$0x0] =	sbarrier.arrive $0xFFFF  }
0xd1: {  	p0 =	sne.s32 s0, $0x0;
	_ =	strace $0x90000047  }
0xd2: {  	s0 =	sadd.s32 @!p0 $0x100000, s1;
	[bflag:$0x2] =	sbarrier.arrive $0xFFFF  }
0xd3: {  	[sflag:s0] =	ssyncadd.tile.s32 @!p0 $0x1;
	_ =	shalt  }
.Lfunc_end2:
_tile_overlayer_lowered:
.L_overlay_start_2:
0xd4: {  	(tag) =	ssettag $0x2  }
0xd5: {  	s0 =	rddreg [dreg:$0x0];
	s2 =	stileid.u32  }
0xd6: {  	s1 =	rddreg [dreg:$0x1];
	p0 =	sne.s32 s2, $0x0  }
0xd7: {  	s3 =	rddreg [dreg:$0x2];
	[bflag:$0x3] =	sbarrier.arrive $0xFFFF;
	s2 =	simm.s32 @!p0 $0x1C02  }
0xd8: {  	[timem:s3], [sflag:s2] =	dma.local @!p0 [hbm:s0], s1  }
0xd9: {  	s0 =	simm.s32 @!p0 $0x2  }
0xda: {  	_ =	swait.ge @!p0 [sflag:s0], s1  }
0xdb: {  	s1 =	ssub.s32 @!p0 $0x0, s1;
	[sflag:s0] =	ssyncset.done @!p0 $0x0  }
0xdc: {  	[sflag:s0] =	ssyncadd.s32 @!p0 s1  }
0xdd: {  	[bflag:$0x3] =	sbarrier.arrive $0xFFFF  }
0xde: {  	_ =	shalt  }

</sc_bundles>
